<compile_context>
chip_gen: v7x
topology: tpu7x:2x2x1
jax: 0.10.2.dev20260603
libtpu: 0.0.44.dev20260713+nightly
codegen_flags: <defaults>
</compile_context>

<pallas_src>
import functools

import jax
import jax.numpy as jnp
from jax import lax
from jax.experimental import pallas as pl
from jax.experimental.pallas import tpu as pltpu
from jax.experimental.pallas import tpu_sc as plsc

B = 16384
K = 128
NW = 32
PW = B // NW
NCHUNK = 4
C = PW // NCHUNK
G = C // 16


def _mf_body(u_hbm, i_hbm, uf_hbm, if_hbm, ub_hbm, ib_hbm, out_hbm,
             uidx0, uidx1, uidx2, uidx3, iidx0, iidx1, iidx2, iidx3,
             ubuf0, ubuf1, ibuf0, ibuf1, buv, biv, outv,
             sem_idx, sem_g0, sem_g1, sem_b):
    wid = lax.axis_index("s") * 2 + lax.axis_index("c")
    base = wid * PW
    uidx = [uidx0, uidx1, uidx2, uidx3]
    iidx = [iidx0, iidx1, iidx2, iidx3]
    ubuf = [ubuf0, ubuf1]
    ibuf = [ibuf0, ibuf1]

    idx_cp = []
    for t in range(NCHUNK):
        idx_cp.append(pltpu.async_copy(u_hbm.at[wid, t], uidx[t], sem_idx))
        idx_cp.append(pltpu.async_copy(i_hbm.at[wid, t], iidx[t], sem_idx))
    for cp in idx_cp:
        cp.wait()

    b_cp = []
    for t in range(NCHUNK):
        b_cp.append(pltpu.async_copy(ub_hbm.at[uidx[t]],
                                     buv.at[pl.ds(t * C, C)], sem_b))
        b_cp.append(pltpu.async_copy(ib_hbm.at[iidx[t]],
                                     biv.at[pl.ds(t * C, C)], sem_b))

    def fire(t):
        sem = sem_g0 if t % 2 == 0 else sem_g1
        return [pltpu.async_copy(uf_hbm.at[uidx[t]], ubuf[t % 2], sem),
                pltpu.async_copy(if_hbm.at[iidx[t]], ibuf[t % 2], sem)]

    def compute(t):
        ub_, ib_ = ubuf[t % 2], ibuf[t % 2]

        @plsc.parallel_loop(0, C, step=1, unroll=4)
        def pair_body(p):
            prods = [ub_[p, pl.ds(j * 16, 16)] * ib_[p, pl.ds(j * 16, 16)]
                     for j in range(8)]
            acc = ((prods[0] + prods[1]) + (prods[2] + prods[3])) \
                + ((prods[4] + prods[5]) + (prods[6] + prods[7]))
            pos = jnp.full((16,), t * C + p, jnp.int32)
            plsc.addupdate_scatter(outv, [pos], acc)

    inflight = fire(0)

    for cp in b_cp:
        cp.wait()

    def bias_group(g, carry):
        s = pl.ds(g * 16, 16)
        outv[s] = buv[s] + biv[s]
        return carry

    lax.fori_loop(0, PW // 16, bias_group, 0)

    for t in range(NCHUNK):
        nxt = fire(t + 1) if t + 1 < NCHUNK else []
        for cp in inflight:
            cp.wait()
        compute(t)
        inflight = nxt

    pltpu.sync_copy(outv, out_hbm.at[pl.ds(base, PW)])


@jax.jit
def kernel(u, i, user_f, item_f, user_b, item_b, global_b):
    u2 = u.astype(jnp.int32).reshape(NW, NCHUNK, C)
    i2 = i.astype(jnp.int32).reshape(NW, NCHUNK, C)
    ub = user_b.reshape(-1)
    ib = item_b.reshape(-1)
    mesh = plsc.VectorSubcoreMesh(core_axis_name="c", subcore_axis_name="s")
    fn = pl.kernel(
        _mf_body,
        out_type=jax.ShapeDtypeStruct((B,), jnp.float32),
        mesh=mesh,
        scratch_types=[pltpu.VMEM((C,), jnp.int32)] * 8
        + [pltpu.VMEM((C, K), jnp.float32)] * 4
        + [pltpu.VMEM((PW,), jnp.float32)] * 3
        + [pltpu.SemaphoreType.DMA] * 4,
        compiler_params=pltpu.CompilerParams(needs_layout_passes=False),
    )
    out = fn(u2, i2, user_f, item_f, ub, ib)
    return out + global_b

# --- scband reference (transcript-rebuilt; emitter-appended) ---
"""Pipeline reference for scband-mf-30786325577940 (READ-ONLY COPY).

The authoritative reference and input builder live on the scoring server;
editing this copy changes nothing except your own understanding.
"""

import jax, jax.numpy as jnp
import numpy as np

NUM_USERS = 100000
NUM_ITEMS = 1000000
K = 128
BATCH = 16384

def setup_inputs(seed: int = 0) -> dict:
    key = jax.random.key(seed)
    k_u, k_i, k_uf, k_if, k_ub, k_ib = jax.random.split(key, 6)
    u = jax.random.randint(k_u, (BATCH,), 0, NUM_USERS, dtype=jnp.int64 if jax.config.jax_enable_x64 else jnp.int32)
    i = jax.random.randint(k_i, (BATCH,), 0, NUM_ITEMS, dtype=jnp.int64 if jax.config.jax_enable_x64 else jnp.int32)
    user_f = jax.random.normal(k_uf, (NUM_USERS, K), dtype=jnp.float32) * 0.02
    item_f = jax.random.normal(k_if, (NUM_ITEMS, K), dtype=jnp.float32) * 0.02
    user_b = jax.random.normal(k_ub, (NUM_USERS, 1), dtype=jnp.float32) * 0.02
    item_b = jax.random.normal(k_ib, (NUM_ITEMS, 1), dtype=jnp.float32) * 0.02
    global_b = jnp.zeros((1,), dtype=jnp.float32)
    return {"u": u, "i": i, "user_f": user_f, "item_f": item_f, "user_b": user_b, "item_b": item_b, "global_b": global_b}

def reference(u, i, user_f, item_f, user_b, item_b, global_b):
    pu = jnp.take(user_f, u, axis=0)          # [B, K]
    qi = jnp.take(item_f, i, axis=0)          # [B, K]
    bu = jnp.take(user_b, u, axis=0).squeeze(-1)  # [B]
    bi = jnp.take(item_b, i, axis=0).squeeze(-1)  # [B]
    dot = (pu * qi).sum(axis=1)               # [B]
    return global_b + bu + bi + dot           # [B]

if __name__ == "__main__":
    import jax
    _d = setup_inputs()
    print(jax.jit(kernel)(*tuple(_d.values())))

</pallas_src>

<mosaic_0001>
#map = affine_map<(d0, d1) -> (0, 0, 0)>
#map1 = affine_map<(d0, d1) -> (0, 0)>
#map2 = affine_map<(d0, d1) -> (0)>
module attributes {stable_mosaic.version = 14 : i64} {
  func.func @_mf_body(%arg0: i32, %arg1: i32, %arg2: memref<32x4x128xi32, #tpu.memory_space<hbm>>, %arg3: memref<32x4x128xi32, #tpu.memory_space<hbm>>, %arg4: memref<100000x128xf32, #tpu.memory_space<hbm>>, %arg5: memref<1000000x128xf32, #tpu.memory_space<hbm>>, %arg6: memref<100000xf32, #tpu.memory_space<hbm>>, %arg7: memref<1000000xf32, #tpu.memory_space<hbm>>, %arg8: memref<16384xf32, #tpu.memory_space<hbm>>, %arg9: memref<128xi32, #tpu.memory_space<vmem>>, %arg10: memref<128xi32, #tpu.memory_space<vmem>>, %arg11: memref<128xi32, #tpu.memory_space<vmem>>, %arg12: memref<128xi32, #tpu.memory_space<vmem>>, %arg13: memref<128xi32, #tpu.memory_space<vmem>>, %arg14: memref<128xi32, #tpu.memory_space<vmem>>, %arg15: memref<128xi32, #tpu.memory_space<vmem>>, %arg16: memref<128xi32, #tpu.memory_space<vmem>>, %arg17: memref<128x128xf32, #tpu.memory_space<vmem>>, %arg18: memref<128x128xf32, #tpu.memory_space<vmem>>, %arg19: memref<128x128xf32, #tpu.memory_space<vmem>>, %arg20: memref<128x128xf32, #tpu.memory_space<vmem>>, %arg21: memref<512xf32, #tpu.memory_space<vmem>>, %arg22: memref<512xf32, #tpu.memory_space<vmem>>, %arg23: memref<512xf32, #tpu.memory_space<vmem>>, %arg24: memref<!tpu.dma_semaphore, #tpu.memory_space<semaphore_mem>>, %arg25: memref<!tpu.dma_semaphore, #tpu.memory_space<semaphore_mem>>, %arg26: memref<!tpu.dma_semaphore, #tpu.memory_space<semaphore_mem>>, %arg27: memref<!tpu.dma_semaphore, #tpu.memory_space<semaphore_mem>>) attributes {dimension_semantics = [#tpu.dimension_semantics<core_parallel>, #tpu.dimension_semantics<subcore_parallel>], iteration_bounds = array<i64: 2, 16>, scalar_prefetch = 0 : i64, scratch_operands = 19 : i64, tpu.core_type = #tpu.core_type<sc_vector_subcore>, window_params = [{transform_indices = #map}, {transform_indices = #map}, {transform_indices = #map1}, {transform_indices = #map1}, {transform_indices = #map2}, {transform_indices = #map2}, {transform_indices = #map2}]} {
    %mul3A = arith.constant 2 : i32
    %mul3A_0 = arith.muli %arg1, %mul3A : i32
    %add3A = arith.addi %mul3A_0, %arg0 : i32
    %mul3A_1 = arith.constant 512 : i32
    %mul3A_2 = arith.muli %add3A, %mul3A_1 : i32
    %dma_start3A = arith.constant 0 : i32
    %dma_start3A_3 = arith.constant 0 : i32
    %dma_start3A_4 = tpu.memref_slice %arg2[%add3A, %dma_start3A, %dma_start3A_3] : memref<32x4x128xi32, #tpu.memory_space<hbm>> -> memref<1x1x128xi32, #tpu.memory_space<hbm>>
    %dma_start3A_5 = tpu.memref_squeeze %dma_start3A_4 : memref<1x1x128xi32, #tpu.memory_space<hbm>> -> memref<128xi32, #tpu.memory_space<hbm>>
    %dma_start3A_6 = arith.constant 0 : i32
    %dma_start3A_7 = tpu.memref_slice %arg2[%add3A, %dma_start3A, %dma_start3A_6] : memref<32x4x128xi32, #tpu.memory_space<hbm>> -> memref<1x1x128xi32, #tpu.memory_space<hbm>>
    %dma_start3A_8 = tpu.memref_squeeze %dma_start3A_7 : memref<1x1x128xi32, #tpu.memory_space<hbm>> -> memref<128xi32, #tpu.memory_space<hbm>>
    tpu.enqueue_dma source(%dma_start3A_8 : memref<128xi32, #tpu.memory_space<hbm>>) target(%arg9 : memref<128xi32, #tpu.memory_space<vmem>>) target_semaphore(%arg24 : memref<!tpu.dma_semaphore, #tpu.memory_space<semaphore_mem>>)
    %dma_start3A_9 = arith.constant 0 : i32
    %dma_start3A_10 = arith.constant 0 : i32
    %dma_start3A_11 = tpu.memref_slice %arg3[%add3A, %dma_start3A_9, %dma_start3A_10] : memref<32x4x128xi32, #tpu.memory_space<hbm>> -> memref<1x1x128xi32, #tpu.memory_space<hbm>>
    %dma_start3A_12 = tpu.memref_squeeze %dma_start3A_11 : memref<1x1x128xi32, #tpu.memory_space<hbm>> -> memref<128xi32, #tpu.memory_space<hbm>>
    %dma_start3A_13 = arith.constant 0 : i32
    %dma_start3A_14 = tpu.memref_slice %arg3[%add3A, %dma_start3A_9, %dma_start3A_13] : memref<32x4x128xi32, #tpu.memory_space<hbm>> -> memref<1x1x128xi32, #tpu.memory_space<hbm>>
    %dma_start3A_15 = tpu.memref_squeeze %dma_start3A_14 : memref<1x1x128xi32, #tpu.memory_space<hbm>> -> memref<128xi32, #tpu.memory_space<hbm>>
    tpu.enqueue_dma source(%dma_start3A_15 : memref<128xi32, #tpu.memory_space<hbm>>) target(%arg13 : memref<128xi32, #tpu.memory_space<vmem>>) target_semaphore(%arg24 : memref<!tpu.dma_semaphore, #tpu.memory_space<semaphore_mem>>)
    %dma_start3A_16 = arith.constant 1 : i32
    %dma_start3A_17 = arith.constant 0 : i32
    %dma_start3A_18 = tpu.memref_slice %arg2[%add3A, %dma_start3A_16, %dma_start3A_17] : memref<32x4x128xi32, #tpu.memory_space<hbm>> -> memref<1x1x128xi32, #tpu.memory_space<hbm>>
    %dma_start3A_19 = tpu.memref_squeeze %dma_start3A_18 : memref<1x1x128xi32, #tpu.memory_space<hbm>> -> memref<128xi32, #tpu.memory_space<hbm>>
    %dma_start3A_20 = arith.constant 0 : i32
    %dma_start3A_21 = tpu.memref_slice %arg2[%add3A, %dma_start3A_16, %dma_start3A_20] : memref<32x4x128xi32, #tpu.memory_space<hbm>> -> memref<1x1x128xi32, #tpu.memory_space<hbm>>
    %dma_start3A_22 = tpu.memref_squeeze %dma_start3A_21 : memref<1x1x128xi32, #tpu.memory_space<hbm>> -> memref<128xi32, #tpu.memory_space<hbm>>
    tpu.enqueue_dma source(%dma_start3A_22 : memref<128xi32, #tpu.memory_space<hbm>>) target(%arg10 : memref<128xi32, #tpu.memory_space<vmem>>) target_semaphore(%arg24 : memref<!tpu.dma_semaphore, #tpu.memory_space<semaphore_mem>>)
    %dma_start3A_23 = arith.constant 1 : i32
    %dma_start3A_24 = arith.constant 0 : i32
    %dma_start3A_25 = tpu.memref_slice %arg3[%add3A, %dma_start3A_23, %dma_start3A_24] : memref<32x4x128xi32, #tpu.memory_space<hbm>> -> memref<1x1x128xi32, #tpu.memory_space<hbm>>
    %dma_start3A_26 = tpu.memref_squeeze %dma_start3A_25 : memref<1x1x128xi32, #tpu.memory_space<hbm>> -> memref<128xi32, #tpu.memory_space<hbm>>
    %dma_start3A_27 = arith.constant 0 : i32
    %dma_start3A_28 = tpu.memref_slice %arg3[%add3A, %dma_start3A_23, %dma_start3A_27] : memref<32x4x128xi32, #tpu.memory_space<hbm>> -> memref<1x1x128xi32, #tpu.memory_space<hbm>>
    %dma_start3A_29 = tpu.memref_squeeze %dma_start3A_28 : memref<1x1x128xi32, #tpu.memory_space<hbm>> -> memref<128xi32, #tpu.memory_space<hbm>>
    tpu.enqueue_dma source(%dma_start3A_29 : memref<128xi32, #tpu.memory_space<hbm>>) target(%arg14 : memref<128xi32, #tpu.memory_space<vmem>>) target_semaphore(%arg24 : memref<!tpu.dma_semaphore, #tpu.memory_space<semaphore_mem>>)
    %dma_start3A_30 = arith.constant 2 : i32
    %dma_start3A_31 = arith.constant 0 : i32
    %dma_start3A_32 = tpu.memref_slice %arg2[%add3A, %dma_start3A_30, %dma_start3A_31] : memref<32x4x128xi32, #tpu.memory_space<hbm>> -> memref<1x1x128xi32, #tpu.memory_space<hbm>>
    %dma_start3A_33 = tpu.memref_squeeze %dma_start3A_32 : memref<1x1x128xi32, #tpu.memory_space<hbm>> -> memref<128xi32, #tpu.memory_space<hbm>>
    %dma_start3A_34 = arith.constant 0 : i32
    %dma_start3A_35 = tpu.memref_slice %arg2[%add3A, %dma_start3A_30, %dma_start3A_34] : memref<32x4x128xi32, #tpu.memory_space<hbm>> -> memref<1x1x128xi32, #tpu.memory_space<hbm>>
    %dma_start3A_36 = tpu.memref_squeeze %dma_start3A_35 : memref<1x1x128xi32, #tpu.memory_space<hbm>> -> memref<128xi32, #tpu.memory_space<hbm>>
    tpu.enqueue_dma source(%dma_start3A_36 : memref<128xi32, #tpu.memory_space<hbm>>) target(%arg11 : memref<128xi32, #tpu.memory_space<vmem>>) target_semaphore(%arg24 : memref<!tpu.dma_semaphore, #tpu.memory_space<semaphore_mem>>)
    %dma_start3A_37 = arith.constant 2 : i32
    %dma_start3A_38 = arith.constant 0 : i32
    %dma_start3A_39 = tpu.memref_slice %arg3[%add3A, %dma_start3A_37, %dma_start3A_38] : memref<32x4x128xi32, #tpu.memory_space<hbm>> -> memref<1x1x128xi32, #tpu.memory_space<hbm>>
    %dma_start3A_40 = tpu.memref_squeeze %dma_start3A_39 : memref<1x1x128xi32, #tpu.memory_space<hbm>> -> memref<128xi32, #tpu.memory_space<hbm>>
    %dma_start3A_41 = arith.constant 0 : i32
    %dma_start3A_42 = tpu.memref_slice %arg3[%add3A, %dma_start3A_37, %dma_start3A_41] : memref<32x4x128xi32, #tpu.memory_space<hbm>> -> memref<1x1x128xi32, #tpu.memory_space<hbm>>
    %dma_start3A_43 = tpu.memref_squeeze %dma_start3A_42 : memref<1x1x128xi32, #tpu.memory_space<hbm>> -> memref<128xi32, #tpu.memory_space<hbm>>
    tpu.enqueue_dma source(%dma_start3A_43 : memref<128xi32, #tpu.memory_space<hbm>>) target(%arg15 : memref<128xi32, #tpu.memory_space<vmem>>) target_semaphore(%arg24 : memref<!tpu.dma_semaphore, #tpu.memory_space<semaphore_mem>>)
    %dma_start3A_44 = arith.constant 3 : i32
    %dma_start3A_45 = arith.constant 0 : i32
    %dma_start3A_46 = tpu.memref_slice %arg2[%add3A, %dma_start3A_44, %dma_start3A_45] : memref<32x4x128xi32, #tpu.memory_space<hbm>> -> memref<1x1x128xi32, #tpu.memory_space<hbm>>
    %dma_start3A_47 = tpu.memref_squeeze %dma_start3A_46 : memref<1x1x128xi32, #tpu.memory_space<hbm>> -> memref<128xi32, #tpu.memory_space<hbm>>
    %dma_start3A_48 = arith.constant 0 : i32
    %dma_start3A_49 = tpu.memref_slice %arg2[%add3A, %dma_start3A_44, %dma_start3A_48] : memref<32x4x128xi32, #tpu.memory_space<hbm>> -> memref<1x1x128xi32, #tpu.memory_space<hbm>>
    %dma_start3A_50 = tpu.memref_squeeze %dma_start3A_49 : memref<1x1x128xi32, #tpu.memory_space<hbm>> -> memref<128xi32, #tpu.memory_space<hbm>>
    tpu.enqueue_dma source(%dma_start3A_50 : memref<128xi32, #tpu.memory_space<hbm>>) target(%arg12 : memref<128xi32, #tpu.memory_space<vmem>>) target_semaphore(%arg24 : memref<!tpu.dma_semaphore, #tpu.memory_space<semaphore_mem>>)
    %dma_start3A_51 = arith.constant 3 : i32
    %dma_start3A_52 = arith.constant 0 : i32
    %dma_start3A_53 = tpu.memref_slice %arg3[%add3A, %dma_start3A_51, %dma_start3A_52] : memref<32x4x128xi32, #tpu.memory_space<hbm>> -> memref<1x1x128xi32, #tpu.memory_space<hbm>>
    %dma_start3A_54 = tpu.memref_squeeze %dma_start3A_53 : memref<1x1x128xi32, #tpu.memory_space<hbm>> -> memref<128xi32, #tpu.memory_space<hbm>>
    %dma_start3A_55 = arith.constant 0 : i32
    %dma_start3A_56 = tpu.memref_slice %arg3[%add3A, %dma_start3A_51, %dma_start3A_55] : memref<32x4x128xi32, #tpu.memory_space<hbm>> -> memref<1x1x128xi32, #tpu.memory_space<hbm>>
    %dma_start3A_57 = tpu.memref_squeeze %dma_start3A_56 : memref<1x1x128xi32, #tpu.memory_space<hbm>> -> memref<128xi32, #tpu.memory_space<hbm>>
    tpu.enqueue_dma source(%dma_start3A_57 : memref<128xi32, #tpu.memory_space<hbm>>) target(%arg16 : memref<128xi32, #tpu.memory_space<vmem>>) target_semaphore(%arg24 : memref<!tpu.dma_semaphore, #tpu.memory_space<semaphore_mem>>)
    %dma_wait3A = arith.constant 0 : i32
    %dma_wait3A_58 = arith.constant 0 : i32
    %dma_wait3A_59 = tpu.memref_slice %arg2[%add3A, %dma_wait3A, %dma_wait3A_58] : memref<32x4x128xi32, #tpu.memory_space<hbm>> -> memref<1x1x128xi32, #tpu.memory_space<hbm>>
    %dma_wait3A_60 = tpu.memref_squeeze %dma_wait3A_59 : memref<1x1x128xi32, #tpu.memory_space<hbm>> -> memref<128xi32, #tpu.memory_space<hbm>>
    %dma_wait3A_61 = arith.constant 0 : i32
    %dma_wait3A_62 = tpu.memref_slice %arg2[%add3A, %dma_wait3A, %dma_wait3A_61] : memref<32x4x128xi32, #tpu.memory_space<hbm>> -> memref<1x1x128xi32, #tpu.memory_space<hbm>>
    %dma_wait3A_63 = tpu.memref_squeeze %dma_wait3A_62 : memref<1x1x128xi32, #tpu.memory_space<hbm>> -> memref<128xi32, #tpu.memory_space<hbm>>
    tpu.wait_dma2 semaphore(%arg24 : memref<!tpu.dma_semaphore, #tpu.memory_space<semaphore_mem>>) src(%dma_wait3A_63 : memref<128xi32, #tpu.memory_space<hbm>>) dst(%arg9 : memref<128xi32, #tpu.memory_space<vmem>>)
    %dma_wait3A_64 = arith.constant 0 : i32
    %dma_wait3A_65 = arith.constant 0 : i32
    %dma_wait3A_66 = tpu.memref_slice %arg3[%add3A, %dma_wait3A_64, %dma_wait3A_65] : memref<32x4x128xi32, #tpu.memory_space<hbm>> -> memref<1x1x128xi32, #tpu.memory_space<hbm>>
    %dma_wait3A_67 = tpu.memref_squeeze %dma_wait3A_66 : memref<1x1x128xi32, #tpu.memory_space<hbm>> -> memref<128xi32, #tpu.memory_space<hbm>>
    %dma_wait3A_68 = arith.constant 0 : i32
    %dma_wait3A_69 = tpu.memref_slice %arg3[%add3A, %dma_wait3A_64, %dma_wait3A_68] : memref<32x4x128xi32, #tpu.memory_space<hbm>> -> memref<1x1x128xi32, #tpu.memory_space<hbm>>
    %dma_wait3A_70 = tpu.memref_squeeze %dma_wait3A_69 : memref<1x1x128xi32, #tpu.memory_space<hbm>> -> memref<128xi32, #tpu.memory_space<hbm>>
    tpu.wait_dma2 semaphore(%arg24 : memref<!tpu.dma_semaphore, #tpu.memory_space<semaphore_mem>>) src(%dma_wait3A_70 : memref<128xi32, #tpu.memory_space<hbm>>) dst(%arg13 : memref<128xi32, #tpu.memory_space<vmem>>)
    %dma_wait3A_71 = arith.constant 1 : i32
    %dma_wait3A_72 = arith.constant 0 : i32
    %dma_wait3A_73 = tpu.memref_slice %arg2[%add3A, %dma_wait3A_71, %dma_wait3A_72] : memref<32x4x128xi32, #tpu.memory_space<hbm>> -> memref<1x1x128xi32, #tpu.memory_space<hbm>>
    %dma_wait3A_74 = tpu.memref_squeeze %dma_wait3A_73 : memref<1x1x128xi32, #tpu.memory_space<hbm>> -> memref<128xi32, #tpu.memory_space<hbm>>
    %dma_wait3A_75 = arith.constant 0 : i32
    %dma_wait3A_76 = tpu.memref_slice %arg2[%add3A, %dma_wait3A_71, %dma_wait3A_75] : memref<32x4x128xi32, #tpu.memory_space<hbm>> -> memref<1x1x128xi32, #tpu.memory_space<hbm>>
    %dma_wait3A_77 = tpu.memref_squeeze %dma_wait3A_76 : memref<1x1x128xi32, #tpu.memory_space<hbm>> -> memref<128xi32, #tpu.memory_space<hbm>>
    tpu.wait_dma2 semaphore(%arg24 : memref<!tpu.dma_semaphore, #tpu.memory_space<semaphore_mem>>) src(%dma_wait3A_77 : memref<128xi32, #tpu.memory_space<hbm>>) dst(%arg10 : memref<128xi32, #tpu.memory_space<vmem>>)
    %dma_wait3A_78 = arith.constant 1 : i32
    %dma_wait3A_79 = arith.constant 0 : i32
    %dma_wait3A_80 = tpu.memref_slice %arg3[%add3A, %dma_wait3A_78, %dma_wait3A_79] : memref<32x4x128xi32, #tpu.memory_space<hbm>> -> memref<1x1x128xi32, #tpu.memory_space<hbm>>
    %dma_wait3A_81 = tpu.memref_squeeze %dma_wait3A_80 : memref<1x1x128xi32, #tpu.memory_space<hbm>> -> memref<128xi32, #tpu.memory_space<hbm>>
    %dma_wait3A_82 = arith.constant 0 : i32
    %dma_wait3A_83 = tpu.memref_slice %arg3[%add3A, %dma_wait3A_78, %dma_wait3A_82] : memref<32x4x128xi32, #tpu.memory_space<hbm>> -> memref<1x1x128xi32, #tpu.memory_space<hbm>>
    %dma_wait3A_84 = tpu.memref_squeeze %dma_wait3A_83 : memref<1x1x128xi32, #tpu.memory_space<hbm>> -> memref<128xi32, #tpu.memory_space<hbm>>
    tpu.wait_dma2 semaphore(%arg24 : memref<!tpu.dma_semaphore, #tpu.memory_space<semaphore_mem>>) src(%dma_wait3A_84 : memref<128xi32, #tpu.memory_space<hbm>>) dst(%arg14 : memref<128xi32, #tpu.memory_space<vmem>>)
    %dma_wait3A_85 = arith.constant 2 : i32
    %dma_wait3A_86 = arith.constant 0 : i32
    %dma_wait3A_87 = tpu.memref_slice %arg2[%add3A, %dma_wait3A_85, %dma_wait3A_86] : memref<32x4x128xi32, #tpu.memory_space<hbm>> -> memref<1x1x128xi32, #tpu.memory_space<hbm>>
    %dma_wait3A_88 = tpu.memref_squeeze %dma_wait3A_87 : memref<1x1x128xi32, #tpu.memory_space<hbm>> -> memref<128xi32, #tpu.memory_space<hbm>>
    %dma_wait3A_89 = arith.constant 0 : i32
    %dma_wait3A_90 = tpu.memref_slice %arg2[%add3A, %dma_wait3A_85, %dma_wait3A_89] : memref<32x4x128xi32, #tpu.memory_space<hbm>> -> memref<1x1x128xi32, #tpu.memory_space<hbm>>
    %dma_wait3A_91 = tpu.memref_squeeze %dma_wait3A_90 : memref<1x1x128xi32, #tpu.memory_space<hbm>> -> memref<128xi32, #tpu.memory_space<hbm>>
    tpu.wait_dma2 semaphore(%arg24 : memref<!tpu.dma_semaphore, #tpu.memory_space<semaphore_mem>>) src(%dma_wait3A_91 : memref<128xi32, #tpu.memory_space<hbm>>) dst(%arg11 : memref<128xi32, #tpu.memory_space<vmem>>)
    %dma_wait3A_92 = arith.constant 2 : i32
    %dma_wait3A_93 = arith.constant 0 : i32
    %dma_wait3A_94 = tpu.memref_slice %arg3[%add3A, %dma_wait3A_92, %dma_wait3A_93] : memref<32x4x128xi32, #tpu.memory_space<hbm>> -> memref<1x1x128xi32, #tpu.memory_space<hbm>>
    %dma_wait3A_95 = tpu.memref_squeeze %dma_wait3A_94 : memref<1x1x128xi32, #tpu.memory_space<hbm>> -> memref<128xi32, #tpu.memory_space<hbm>>
    %dma_wait3A_96 = arith.constant 0 : i32
    %dma_wait3A_97 = tpu.memref_slice %arg3[%add3A, %dma_wait3A_92, %dma_wait3A_96] : memref<32x4x128xi32, #tpu.memory_space<hbm>> -> memref<1x1x128xi32, #tpu.memory_space<hbm>>
    %dma_wait3A_98 = tpu.memref_squeeze %dma_wait3A_97 : memref<1x1x128xi32, #tpu.memory_space<hbm>> -> memref<128xi32, #tpu.memory_space<hbm>>
    tpu.wait_dma2 semaphore(%arg24 : memref<!tpu.dma_semaphore, #tpu.memory_space<semaphore_mem>>) src(%dma_wait3A_98 : memref<128xi32, #tpu.memory_space<hbm>>) dst(%arg15 : memref<128xi32, #tpu.memory_space<vmem>>)
    %dma_wait3A_99 = arith.constant 3 : i32
    %dma_wait3A_100 = arith.constant 0 : i32
    %dma_wait3A_101 = tpu.memref_slice %arg2[%add3A, %dma_wait3A_99, %dma_wait3A_100] : memref<32x4x128xi32, #tpu.memory_space<hbm>> -> memref<1x1x128xi32, #tpu.memory_space<hbm>>
    %dma_wait3A_102 = tpu.memref_squeeze %dma_wait3A_101 : memref<1x1x128xi32, #tpu.memory_space<hbm>> -> memref<128xi32, #tpu.memory_space<hbm>>
    %dma_wait3A_103 = arith.constant 0 : i32
    %dma_wait3A_104 = tpu.memref_slice %arg2[%add3A, %dma_wait3A_99, %dma_wait3A_103] : memref<32x4x128xi32, #tpu.memory_space<hbm>> -> memref<1x1x128xi32, #tpu.memory_space<hbm>>
    %dma_wait3A_105 = tpu.memref_squeeze %dma_wait3A_104 : memref<1x1x128xi32, #tpu.memory_space<hbm>> -> memref<128xi32, #tpu.memory_space<hbm>>
    tpu.wait_dma2 semaphore(%arg24 : memref<!tpu.dma_semaphore, #tpu.memory_space<semaphore_mem>>) src(%dma_wait3A_105 : memref<128xi32, #tpu.memory_space<hbm>>) dst(%arg12 : memref<128xi32, #tpu.memory_space<vmem>>)
    %dma_wait3A_106 = arith.constant 3 : i32
    %dma_wait3A_107 = arith.constant 0 : i32
    %dma_wait3A_108 = tpu.memref_slice %arg3[%add3A, %dma_wait3A_106, %dma_wait3A_107] : memref<32x4x128xi32, #tpu.memory_space<hbm>> -> memref<1x1x128xi32, #tpu.memory_space<hbm>>
    %dma_wait3A_109 = tpu.memref_squeeze %dma_wait3A_108 : memref<1x1x128xi32, #tpu.memory_space<hbm>> -> memref<128xi32, #tpu.memory_space<hbm>>
    %dma_wait3A_110 = arith.constant 0 : i32
    %dma_wait3A_111 = tpu.memref_slice %arg3[%add3A, %dma_wait3A_106, %dma_wait3A_110] : memref<32x4x128xi32, #tpu.memory_space<hbm>> -> memref<1x1x128xi32, #tpu.memory_space<hbm>>
    %dma_wait3A_112 = tpu.memref_squeeze %dma_wait3A_111 : memref<1x1x128xi32, #tpu.memory_space<hbm>> -> memref<128xi32, #tpu.memory_space<hbm>>
    tpu.wait_dma2 semaphore(%arg24 : memref<!tpu.dma_semaphore, #tpu.memory_space<semaphore_mem>>) src(%dma_wait3A_112 : memref<128xi32, #tpu.memory_space<hbm>>) dst(%arg16 : memref<128xi32, #tpu.memory_space<vmem>>)
    %dma_start3A_113 = arith.constant 0 : i32
    %dma_start3A_114 = tpu.memref_slice %arg21[%dma_start3A_113] : memref<512xf32, #tpu.memory_space<vmem>> -> memref<128xf32, #tpu.memory_space<vmem>>
    %dma_start3A_115 = arith.constant 0 : i32
    %dma_start3A_116 = tpu.memref_slice %arg6[%dma_start3A_115] : memref<100000xf32, #tpu.memory_space<hbm>> -> memref<100000xf32, #tpu.memory_space<hbm>>
    tpu.enqueue_indirect_dma source(%dma_start3A_116 : memref<100000xf32, #tpu.memory_space<hbm>>) target(%dma_start3A_114 : memref<128xf32, #tpu.memory_space<vmem>>) offsets(%arg9 : memref<128xi32, #tpu.memory_space<vmem>>) semaphore(%arg27 : memref<!tpu.dma_semaphore, #tpu.memory_space<semaphore_mem>>)
    %dma_start3A_117 = arith.constant 0 : i32
    %dma_start3A_118 = tpu.memref_slice %arg22[%dma_start3A_117] : memref<512xf32, #tpu.memory_space<vmem>> -> memref<128xf32, #tpu.memory_space<vmem>>
    %dma_start3A_119 = arith.constant 0 : i32
    %dma_start3A_120 = tpu.memref_slice %arg7[%dma_start3A_119] : memref<1000000xf32, #tpu.memory_space<hbm>> -> memref<1000000xf32, #tpu.memory_space<hbm>>
    tpu.enqueue_indirect_dma source(%dma_start3A_120 : memref<1000000xf32, #tpu.memory_space<hbm>>) target(%dma_start3A_118 : memref<128xf32, #tpu.memory_space<vmem>>) offsets(%arg13 : memref<128xi32, #tpu.memory_space<vmem>>) semaphore(%arg27 : memref<!tpu.dma_semaphore, #tpu.memory_space<semaphore_mem>>)
    %dma_start3A_121 = arith.constant 128 : i32
    %dma_start3A_122 = tpu.memref_slice %arg21[%dma_start3A_121] : memref<512xf32, #tpu.memory_space<vmem>> -> memref<128xf32, #tpu.memory_space<vmem>>
    %dma_start3A_123 = arith.constant 0 : i32
    %dma_start3A_124 = tpu.memref_slice %arg6[%dma_start3A_123] : memref<100000xf32, #tpu.memory_space<hbm>> -> memref<100000xf32, #tpu.memory_space<hbm>>
    tpu.enqueue_indirect_dma source(%dma_start3A_124 : memref<100000xf32, #tpu.memory_space<hbm>>) target(%dma_start3A_122 : memref<128xf32, #tpu.memory_space<vmem>>) offsets(%arg10 : memref<128xi32, #tpu.memory_space<vmem>>) semaphore(%arg27 : memref<!tpu.dma_semaphore, #tpu.memory_space<semaphore_mem>>)
    %dma_start3A_125 = arith.constant 128 : i32
    %dma_start3A_126 = tpu.memref_slice %arg22[%dma_start3A_125] : memref<512xf32, #tpu.memory_space<vmem>> -> memref<128xf32, #tpu.memory_space<vmem>>
    %dma_start3A_127 = arith.constant 0 : i32
    %dma_start3A_128 = tpu.memref_slice %arg7[%dma_start3A_127] : memref<1000000xf32, #tpu.memory_space<hbm>> -> memref<1000000xf32, #tpu.memory_space<hbm>>
    tpu.enqueue_indirect_dma source(%dma_start3A_128 : memref<1000000xf32, #tpu.memory_space<hbm>>) target(%dma_start3A_126 : memref<128xf32, #tpu.memory_space<vmem>>) offsets(%arg14 : memref<128xi32, #tpu.memory_space<vmem>>) semaphore(%arg27 : memref<!tpu.dma_semaphore, #tpu.memory_space<semaphore_mem>>)
    %dma_start3A_129 = arith.constant 256 : i32
    %dma_start3A_130 = tpu.memref_slice %arg21[%dma_start3A_129] : memref<512xf32, #tpu.memory_space<vmem>> -> memref<128xf32, #tpu.memory_space<vmem>>
    %dma_start3A_131 = arith.constant 0 : i32
    %dma_start3A_132 = tpu.memref_slice %arg6[%dma_start3A_131] : memref<100000xf32, #tpu.memory_space<hbm>> -> memref<100000xf32, #tpu.memory_space<hbm>>
    tpu.enqueue_indirect_dma source(%dma_start3A_132 : memref<100000xf32, #tpu.memory_space<hbm>>) target(%dma_start3A_130 : memref<128xf32, #tpu.memory_space<vmem>>) offsets(%arg11 : memref<128xi32, #tpu.memory_space<vmem>>) semaphore(%arg27 : memref<!tpu.dma_semaphore, #tpu.memory_space<semaphore_mem>>)
    %dma_start3A_133 = arith.constant 256 : i32
    %dma_start3A_134 = tpu.memref_slice %arg22[%dma_start3A_133] : memref<512xf32, #tpu.memory_space<vmem>> -> memref<128xf32, #tpu.memory_space<vmem>>
    %dma_start3A_135 = arith.constant 0 : i32
    %dma_start3A_136 = tpu.memref_slice %arg7[%dma_start3A_135] : memref<1000000xf32, #tpu.memory_space<hbm>> -> memref<1000000xf32, #tpu.memory_space<hbm>>
    tpu.enqueue_indirect_dma source(%dma_start3A_136 : memref<1000000xf32, #tpu.memory_space<hbm>>) target(%dma_start3A_134 : memref<128xf32, #tpu.memory_space<vmem>>) offsets(%arg15 : memref<128xi32, #tpu.memory_space<vmem>>) semaphore(%arg27 : memref<!tpu.dma_semaphore, #tpu.memory_space<semaphore_mem>>)
    %dma_start3A_137 = arith.constant 384 : i32
    %dma_start3A_138 = tpu.memref_slice %arg21[%dma_start3A_137] : memref<512xf32, #tpu.memory_space<vmem>> -> memref<128xf32, #tpu.memory_space<vmem>>
    %dma_start3A_139 = arith.constant 0 : i32
    %dma_start3A_140 = tpu.memref_slice %arg6[%dma_start3A_139] : memref<100000xf32, #tpu.memory_space<hbm>> -> memref<100000xf32, #tpu.memory_space<hbm>>
    tpu.enqueue_indirect_dma source(%dma_start3A_140 : memref<100000xf32, #tpu.memory_space<hbm>>) target(%dma_start3A_138 : memref<128xf32, #tpu.memory_space<vmem>>) offsets(%arg12 : memref<128xi32, #tpu.memory_space<vmem>>) semaphore(%arg27 : memref<!tpu.dma_semaphore, #tpu.memory_space<semaphore_mem>>)
    %dma_start3A_141 = arith.constant 384 : i32
    %dma_start3A_142 = tpu.memref_slice %arg22[%dma_start3A_141] : memref<512xf32, #tpu.memory_space<vmem>> -> memref<128xf32, #tpu.memory_space<vmem>>
    %dma_start3A_143 = arith.constant 0 : i32
    %dma_start3A_144 = tpu.memref_slice %arg7[%dma_start3A_143] : memref<1000000xf32, #tpu.memory_space<hbm>> -> memref<1000000xf32, #tpu.memory_space<hbm>>
    tpu.enqueue_indirect_dma source(%dma_start3A_144 : memref<1000000xf32, #tpu.memory_space<hbm>>) target(%dma_start3A_142 : memref<128xf32, #tpu.memory_space<vmem>>) offsets(%arg16 : memref<128xi32, #tpu.memory_space<vmem>>) semaphore(%arg27 : memref<!tpu.dma_semaphore, #tpu.memory_space<semaphore_mem>>)
    %dma_start3A_145 = arith.constant 0 : i32
    %dma_start3A_146 = arith.constant 0 : i32
    %dma_start3A_147 = tpu.memref_slice %arg4[%dma_start3A_145, %dma_start3A_146] : memref<100000x128xf32, #tpu.memory_space<hbm>> -> memref<100000x128xf32, #tpu.memory_space<hbm>>
    tpu.enqueue_indirect_dma source(%dma_start3A_147 : memref<100000x128xf32, #tpu.memory_space<hbm>>) target(%arg17 : memref<128x128xf32, #tpu.memory_space<vmem>>) offsets(%arg9 : memref<128xi32, #tpu.memory_space<vmem>>) semaphore(%arg25 : memref<!tpu.dma_semaphore, #tpu.memory_space<semaphore_mem>>)
    %dma_start3A_148 = arith.constant 0 : i32
    %dma_start3A_149 = arith.constant 0 : i32
    %dma_start3A_150 = tpu.memref_slice %arg5[%dma_start3A_148, %dma_start3A_149] : memref<1000000x128xf32, #tpu.memory_space<hbm>> -> memref<1000000x128xf32, #tpu.memory_space<hbm>>
    tpu.enqueue_indirect_dma source(%dma_start3A_150 : memref<1000000x128xf32, #tpu.memory_space<hbm>>) target(%arg19 : memref<128x128xf32, #tpu.memory_space<vmem>>) offsets(%arg13 : memref<128xi32, #tpu.memory_space<vmem>>) semaphore(%arg25 : memref<!tpu.dma_semaphore, #tpu.memory_space<semaphore_mem>>)
    %dma_wait3A_151 = arith.constant 0 : i32
    %dma_wait3A_152 = tpu.memref_slice %arg21[%dma_wait3A_151] : memref<512xf32, #tpu.memory_space<vmem>> -> memref<128xf32, #tpu.memory_space<vmem>>
    %dma_wait3A_153 = arith.constant 0 : i32
    %dma_wait3A_154 = tpu.memref_slice %arg6[%dma_wait3A_153] : memref<100000xf32, #tpu.memory_space<hbm>> -> memref<100000xf32, #tpu.memory_space<hbm>>
    tpu.wait_indirect_dma semaphore(%arg27 : memref<!tpu.dma_semaphore, #tpu.memory_space<semaphore_mem>>) src(%dma_wait3A_154 : memref<100000xf32, #tpu.memory_space<hbm>>) dst(%dma_wait3A_152 : memref<128xf32, #tpu.memory_space<vmem>>)
    %dma_wait3A_155 = arith.constant 0 : i32
    %dma_wait3A_156 = tpu.memref_slice %arg22[%dma_wait3A_155] : memref<512xf32, #tpu.memory_space<vmem>> -> memref<128xf32, #tpu.memory_space<vmem>>
    %dma_wait3A_157 = arith.constant 0 : i32
    %dma_wait3A_158 = tpu.memref_slice %arg7[%dma_wait3A_157] : memref<1000000xf32, #tpu.memory_space<hbm>> -> memref<1000000xf32, #tpu.memory_space<hbm>>
    tpu.wait_indirect_dma semaphore(%arg27 : memref<!tpu.dma_semaphore, #tpu.memory_space<semaphore_mem>>) src(%dma_wait3A_158 : memref<1000000xf32, #tpu.memory_space<hbm>>) dst(%dma_wait3A_156 : memref<128xf32, #tpu.memory_space<vmem>>)
    %dma_wait3A_159 = arith.constant 128 : i32
    %dma_wait3A_160 = tpu.memref_slice %arg21[%dma_wait3A_159] : memref<512xf32, #tpu.memory_space<vmem>> -> memref<128xf32, #tpu.memory_space<vmem>>
    %dma_wait3A_161 = arith.constant 0 : i32
    %dma_wait3A_162 = tpu.memref_slice %arg6[%dma_wait3A_161] : memref<100000xf32, #tpu.memory_space<hbm>> -> memref<100000xf32, #tpu.memory_space<hbm>>
    tpu.wait_indirect_dma semaphore(%arg27 : memref<!tpu.dma_semaphore, #tpu.memory_space<semaphore_mem>>) src(%dma_wait3A_162 : memref<100000xf32, #tpu.memory_space<hbm>>) dst(%dma_wait3A_160 : memref<128xf32, #tpu.memory_space<vmem>>)
    %dma_wait3A_163 = arith.constant 128 : i32
    %dma_wait3A_164 = tpu.memref_slice %arg22[%dma_wait3A_163] : memref<512xf32, #tpu.memory_space<vmem>> -> memref<128xf32, #tpu.memory_space<vmem>>
    %dma_wait3A_165 = arith.constant 0 : i32
    %dma_wait3A_166 = tpu.memref_slice %arg7[%dma_wait3A_165] : memref<1000000xf32, #tpu.memory_space<hbm>> -> memref<1000000xf32, #tpu.memory_space<hbm>>
    tpu.wait_indirect_dma semaphore(%arg27 : memref<!tpu.dma_semaphore, #tpu.memory_space<semaphore_mem>>) src(%dma_wait3A_166 : memref<1000000xf32, #tpu.memory_space<hbm>>) dst(%dma_wait3A_164 : memref<128xf32, #tpu.memory_space<vmem>>)
    %dma_wait3A_167 = arith.constant 256 : i32
    %dma_wait3A_168 = tpu.memref_slice %arg21[%dma_wait3A_167] : memref<512xf32, #tpu.memory_space<vmem>> -> memref<128xf32, #tpu.memory_space<vmem>>
    %dma_wait3A_169 = arith.constant 0 : i32
    %dma_wait3A_170 = tpu.memref_slice %arg6[%dma_wait3A_169] : memref<100000xf32, #tpu.memory_space<hbm>> -> memref<100000xf32, #tpu.memory_space<hbm>>
    tpu.wait_indirect_dma semaphore(%arg27 : memref<!tpu.dma_semaphore, #tpu.memory_space<semaphore_mem>>) src(%dma_wait3A_170 : memref<100000xf32, #tpu.memory_space<hbm>>) dst(%dma_wait3A_168 : memref<128xf32, #tpu.memory_space<vmem>>)
    %dma_wait3A_171 = arith.constant 256 : i32
    %dma_wait3A_172 = tpu.memref_slice %arg22[%dma_wait3A_171] : memref<512xf32, #tpu.memory_space<vmem>> -> memref<128xf32, #tpu.memory_space<vmem>>
    %dma_wait3A_173 = arith.constant 0 : i32
    %dma_wait3A_174 = tpu.memref_slice %arg7[%dma_wait3A_173] : memref<1000000xf32, #tpu.memory_space<hbm>> -> memref<1000000xf32, #tpu.memory_space<hbm>>
    tpu.wait_indirect_dma semaphore(%arg27 : memref<!tpu.dma_semaphore, #tpu.memory_space<semaphore_mem>>) src(%dma_wait3A_174 : memref<1000000xf32, #tpu.memory_space<hbm>>) dst(%dma_wait3A_172 : memref<128xf32, #tpu.memory_space<vmem>>)
    %dma_wait3A_175 = arith.constant 384 : i32
    %dma_wait3A_176 = tpu.memref_slice %arg21[%dma_wait3A_175] : memref<512xf32, #tpu.memory_space<vmem>> -> memref<128xf32, #tpu.memory_space<vmem>>
    %dma_wait3A_177 = arith.constant 0 : i32
    %dma_wait3A_178 = tpu.memref_slice %arg6[%dma_wait3A_177] : memref<100000xf32, #tpu.memory_space<hbm>> -> memref<100000xf32, #tpu.memory_space<hbm>>
    tpu.wait_indirect_dma semaphore(%arg27 : memref<!tpu.dma_semaphore, #tpu.memory_space<semaphore_mem>>) src(%dma_wait3A_178 : memref<100000xf32, #tpu.memory_space<hbm>>) dst(%dma_wait3A_176 : memref<128xf32, #tpu.memory_space<vmem>>)
    %dma_wait3A_179 = arith.constant 384 : i32
    %dma_wait3A_180 = tpu.memref_slice %arg22[%dma_wait3A_179] : memref<512xf32, #tpu.memory_space<vmem>> -> memref<128xf32, #tpu.memory_space<vmem>>
    %dma_wait3A_181 = arith.constant 0 : i32
    %dma_wait3A_182 = tpu.memref_slice %arg7[%dma_wait3A_181] : memref<1000000xf32, #tpu.memory_space<hbm>> -> memref<1000000xf32, #tpu.memory_space<hbm>>
    tpu.wait_indirect_dma semaphore(%arg27 : memref<!tpu.dma_semaphore, #tpu.memory_space<semaphore_mem>>) src(%dma_wait3A_182 : memref<1000000xf32, #tpu.memory_space<hbm>>) dst(%dma_wait3A_180 : memref<128xf32, #tpu.memory_space<vmem>>)
    %scan3A = arith.constant 0 : i32
    %scan3A_183 = arith.constant 0 : i32
    %scan3A_184 = arith.constant 32 : i32
    %scan3A_185 = arith.addi %scan3A_183, %scan3A_184 : i32
    %scan3A_186 = arith.constant 1 : i32
    scf.for %scan3A_241 = %scan3A_183 to %scan3A_185 step %scan3A_186  : i32 {
      %mul3A_242 = arith.constant 16 : i32
      %mul3A_243 = arith.muli %scan3A_241, %mul3A_242 : i32
      %get3A = arith.index_cast %mul3A_243 : i32 to index
      %get3A_244 = tpu.vector_load %arg21[%get3A] {strides = array<i32>} : memref<512xf32, #tpu.memory_space<vmem>>, vector<16xf32>,
      %get3A_245 = arith.index_cast %mul3A_243 : i32 to index
      %get3A_246 = tpu.vector_load %arg22[%get3A_245] {strides = array<i32>} : memref<512xf32, #tpu.memory_space<vmem>>, vector<16xf32>,
      %add3A_247 = arith.addf %get3A_244, %get3A_246 : vector<16xf32>
      %swap3A = arith.index_cast %mul3A_243 : i32 to index
      %swap3A_248 = tpu.vector_load %arg23[%swap3A] {strides = array<i32>} : memref<512xf32, #tpu.memory_space<vmem>>, vector<16xf32>,
      tpu.vector_store %arg23[%swap3A], %add3A_247 {strides = array<i32>} : memref<512xf32, #tpu.memory_space<vmem>>, vector<16xf32>,
    }
    %scan3A_187 = arith.constant 32 : i32
    %dma_start3A_188 = arith.constant 0 : i32
    %dma_start3A_189 = arith.constant 0 : i32
    %dma_start3A_190 = tpu.memref_slice %arg4[%dma_start3A_188, %dma_start3A_189] : memref<100000x128xf32, #tpu.memory_space<hbm>> -> memref<100000x128xf32, #tpu.memory_space<hbm>>
    tpu.enqueue_indirect_dma source(%dma_start3A_190 : memref<100000x128xf32, #tpu.memory_space<hbm>>) target(%arg18 : memref<128x128xf32, #tpu.memory_space<vmem>>) offsets(%arg10 : memref<128xi32, #tpu.memory_space<vmem>>) semaphore(%arg26 : memref<!tpu.dma_semaphore, #tpu.memory_space<semaphore_mem>>)
    %dma_start3A_191 = arith.constant 0 : i32
    %dma_start3A_192 = arith.constant 0 : i32
    %dma_start3A_193 = tpu.memref_slice %arg5[%dma_start3A_191, %dma_start3A_192] : memref<1000000x128xf32, #tpu.memory_space<hbm>> -> memref<1000000x128xf32, #tpu.memory_space<hbm>>
    tpu.enqueue_indirect_dma source(%dma_start3A_193 : memref<1000000x128xf32, #tpu.memory_space<hbm>>) target(%arg20 : memref<128x128xf32, #tpu.memory_space<vmem>>) offsets(%arg14 : memref<128xi32, #tpu.memory_space<vmem>>) semaphore(%arg26 : memref<!tpu.dma_semaphore, #tpu.memory_space<semaphore_mem>>)
    %dma_wait3A_194 = arith.constant 0 : i32
    %dma_wait3A_195 = arith.constant 0 : i32
    %dma_wait3A_196 = tpu.memref_slice %arg4[%dma_wait3A_194, %dma_wait3A_195] : memref<100000x128xf32, #tpu.memory_space<hbm>> -> memref<100000x128xf32, #tpu.memory_space<hbm>>
    tpu.wait_indirect_dma semaphore(%arg25 : memref<!tpu.dma_semaphore, #tpu.memory_space<semaphore_mem>>) src(%dma_wait3A_196 : memref<100000x128xf32, #tpu.memory_space<hbm>>) dst(%arg17 : memref<128x128xf32, #tpu.memory_space<vmem>>)
    %dma_wait3A_197 = arith.constant 0 : i32
    %dma_wait3A_198 = arith.constant 0 : i32
    %dma_wait3A_199 = tpu.memref_slice %arg5[%dma_wait3A_197, %dma_wait3A_198] : memref<1000000x128xf32, #tpu.memory_space<hbm>> -> memref<1000000x128xf32, #tpu.memory_space<hbm>>
    tpu.wait_indirect_dma semaphore(%arg25 : memref<!tpu.dma_semaphore, #tpu.memory_space<semaphore_mem>>) src(%dma_wait3A_199 : memref<1000000x128xf32, #tpu.memory_space<hbm>>) dst(%arg19 : memref<128x128xf32, #tpu.memory_space<vmem>>)
    %parallel_loop3A = arith.constant 0 : i32
    %parallel_loop3A_200 = arith.constant 128 : i32
    %parallel_loop3A_201 = arith.constant 1 : i32
    scf.for %parallel_loop3A_241 = %parallel_loop3A to %parallel_loop3A_200 step %parallel_loop3A_201  : i32 {
      %parallel_loop3A_242 = arith.index_cast %parallel_loop3A_241 : i32 to index
      %parallel_loop3A_243 = arith.constant 0 : index
      %parallel_loop3A_244 = tpu.vector_load %arg17[%parallel_loop3A_242, %parallel_loop3A_243] {strides = array<i32>} : memref<128x128xf32, #tpu.memory_space<vmem>>, vector<16xf32>,
      %parallel_loop3A_245 = arith.index_cast %parallel_loop3A_241 : i32 to index
      %parallel_loop3A_246 = arith.constant 0 : index
      %parallel_loop3A_247 = tpu.vector_load %arg19[%parallel_loop3A_245, %parallel_loop3A_246] {strides = array<i32>} : memref<128x128xf32, #tpu.memory_space<vmem>>, vector<16xf32>,
      %parallel_loop3A_248 = arith.mulf %parallel_loop3A_244, %parallel_loop3A_247 : vector<16xf32>
      %parallel_loop3A_249 = arith.index_cast %parallel_loop3A_241 : i32 to index
      %parallel_loop3A_250 = arith.constant 16 : index
      %parallel_loop3A_251 = tpu.vector_load %arg17[%parallel_loop3A_249, %parallel_loop3A_250] {strides = array<i32>} : memref<128x128xf32, #tpu.memory_space<vmem>>, vector<16xf32>,
      %parallel_loop3A_252 = arith.index_cast %parallel_loop3A_241 : i32 to index
      %parallel_loop3A_253 = arith.constant 16 : index
      %parallel_loop3A_254 = tpu.vector_load %arg19[%parallel_loop3A_252, %parallel_loop3A_253] {strides = array<i32>} : memref<128x128xf32, #tpu.memory_space<vmem>>, vector<16xf32>,
      %parallel_loop3A_255 = arith.mulf %parallel_loop3A_251, %parallel_loop3A_254 : vector<16xf32>
      %parallel_loop3A_256 = arith.index_cast %parallel_loop3A_241 : i32 to index
      %parallel_loop3A_257 = arith.constant 32 : index
      %parallel_loop3A_258 = tpu.vector_load %arg17[%parallel_loop3A_256, %parallel_loop3A_257] {strides = array<i32>} : memref<128x128xf32, #tpu.memory_space<vmem>>, vector<16xf32>,
      %parallel_loop3A_259 = arith.index_cast %parallel_loop3A_241 : i32 to index
      %parallel_loop3A_260 = arith.constant 32 : index
      %parallel_loop3A_261 = tpu.vector_load %arg19[%parallel_loop3A_259, %parallel_loop3A_260] {strides = array<i32>} : memref<128x128xf32, #tpu.memory_space<vmem>>, vector<16xf32>,
      %parallel_loop3A_262 = arith.mulf %parallel_loop3A_258, %parallel_loop3A_261 : vector<16xf32>
      %parallel_loop3A_263 = arith.index_cast %parallel_loop3A_241 : i32 to index
      %parallel_loop3A_264 = arith.constant 48 : index
      %parallel_loop3A_265 = tpu.vector_load %arg17[%parallel_loop3A_263, %parallel_loop3A_264] {strides = array<i32>} : memref<128x128xf32, #tpu.memory_space<vmem>>, vector<16xf32>,
      %parallel_loop3A_266 = arith.index_cast %parallel_loop3A_241 : i32 to index
      %parallel_loop3A_267 = arith.constant 48 : index
      %parallel_loop3A_268 = tpu.vector_load %arg19[%parallel_loop3A_266, %parallel_loop3A_267] {strides = array<i32>} : memref<128x128xf32, #tpu.memory_space<vmem>>, vector<16xf32>,
      %parallel_loop3A_269 = arith.mulf %parallel_loop3A_265, %parallel_loop3A_268 : vector<16xf32>
      %parallel_loop3A_270 = arith.index_cast %parallel_loop3A_241 : i32 to index
      %parallel_loop3A_271 = arith.constant 64 : index
      %parallel_loop3A_272 = tpu.vector_load %arg17[%parallel_loop3A_270, %parallel_loop3A_271] {strides = array<i32>} : memref<128x128xf32, #tpu.memory_space<vmem>>, vector<16xf32>,
      %parallel_loop3A_273 = arith.index_cast %parallel_loop3A_241 : i32 to index
      %parallel_loop3A_274 = arith.constant 64 : index
      %parallel_loop3A_275 = tpu.vector_load %arg19[%parallel_loop3A_273, %parallel_loop3A_274] {strides = array<i32>} : memref<128x128xf32, #tpu.memory_space<vmem>>, vector<16xf32>,
      %parallel_loop3A_276 = arith.mulf %parallel_loop3A_272, %parallel_loop3A_275 : vector<16xf32>
      %parallel_loop3A_277 = arith.index_cast %parallel_loop3A_241 : i32 to index
      %parallel_loop3A_278 = arith.constant 80 : index
      %parallel_loop3A_279 = tpu.vector_load %arg17[%parallel_loop3A_277, %parallel_loop3A_278] {strides = array<i32>} : memref<128x128xf32, #tpu.memory_space<vmem>>, vector<16xf32>,
      %parallel_loop3A_280 = arith.index_cast %parallel_loop3A_241 : i32 to index
      %parallel_loop3A_281 = arith.constant 80 : index
      %parallel_loop3A_282 = tpu.vector_load %arg19[%parallel_loop3A_280, %parallel_loop3A_281] {strides = array<i32>} : memref<128x128xf32, #tpu.memory_space<vmem>>, vector<16xf32>,
      %parallel_loop3A_283 = arith.mulf %parallel_loop3A_279, %parallel_loop3A_282 : vector<16xf32>
      %parallel_loop3A_284 = arith.index_cast %parallel_loop3A_241 : i32 to index
      %parallel_loop3A_285 = arith.constant 96 : index
      %parallel_loop3A_286 = tpu.vector_load %arg17[%parallel_loop3A_284, %parallel_loop3A_285] {strides = array<i32>} : memref<128x128xf32, #tpu.memory_space<vmem>>, vector<16xf32>,
      %parallel_loop3A_287 = arith.index_cast %parallel_loop3A_241 : i32 to index
      %parallel_loop3A_288 = arith.constant 96 : index
      %parallel_loop3A_289 = tpu.vector_load %arg19[%parallel_loop3A_287, %parallel_loop3A_288] {strides = array<i32>} : memref<128x128xf32, #tpu.memory_space<vmem>>, vector<16xf32>,
      %parallel_loop3A_290 = arith.mulf %parallel_loop3A_286, %parallel_loop3A_289 : vector<16xf32>
      %parallel_loop3A_291 = arith.index_cast %parallel_loop3A_241 : i32 to index
      %parallel_loop3A_292 = arith.constant 112 : index
      %parallel_loop3A_293 = tpu.vector_load %arg17[%parallel_loop3A_291, %parallel_loop3A_292] {strides = array<i32>} : memref<128x128xf32, #tpu.memory_space<vmem>>, vector<16xf32>,
      %parallel_loop3A_294 = arith.index_cast %parallel_loop3A_241 : i32 to index
      %parallel_loop3A_295 = arith.constant 112 : index
      %parallel_loop3A_296 = tpu.vector_load %arg19[%parallel_loop3A_294, %parallel_loop3A_295] {strides = array<i32>} : memref<128x128xf32, #tpu.memory_space<vmem>>, vector<16xf32>,
      %parallel_loop3A_297 = arith.mulf %parallel_loop3A_293, %parallel_loop3A_296 : vector<16xf32>
      %parallel_loop3A_298 = arith.addf %parallel_loop3A_248, %parallel_loop3A_255 : vector<16xf32>
      %parallel_loop3A_299 = arith.addf %parallel_loop3A_262, %parallel_loop3A_269 : vector<16xf32>
      %parallel_loop3A_300 = arith.addf %parallel_loop3A_298, %parallel_loop3A_299 : vector<16xf32>
      %parallel_loop3A_301 = arith.addf %parallel_loop3A_276, %parallel_loop3A_283 : vector<16xf32>
      %parallel_loop3A_302 = arith.addf %parallel_loop3A_290, %parallel_loop3A_297 : vector<16xf32>
      %parallel_loop3A_303 = arith.addf %parallel_loop3A_301, %parallel_loop3A_302 : vector<16xf32>
      %parallel_loop3A_304 = arith.addf %parallel_loop3A_300, %parallel_loop3A_303 : vector<16xf32>
      %parallel_loop3A_305 = arith.constant 0 : i32
      %parallel_loop3A_306 = arith.addi %parallel_loop3A_305, %parallel_loop3A_241 : i32
      %parallel_loop3A_307 = vector.broadcast %parallel_loop3A_306 : i32 to vector<16xi32>
      tpu.vector_store_idx %arg23[%parallel_loop3A_307], %parallel_loop3A_304 {add = true} : memref<512xf32, #tpu.memory_space<vmem>>[vector<16xi32>], vector<16xf32>,
    } {sc.loop_unroll_factor = 4 : i64, sc.parallel_access}
    %dma_start3A_202 = arith.constant 0 : i32
    %dma_start3A_203 = arith.constant 0 : i32
    %dma_start3A_204 = tpu.memref_slice %arg4[%dma_start3A_202, %dma_start3A_203] : memref<100000x128xf32, #tpu.memory_space<hbm>> -> memref<100000x128xf32, #tpu.memory_space<hbm>>
    tpu.enqueue_indirect_dma source(%dma_start3A_204 : memref<100000x128xf32, #tpu.memory_space<hbm>>) target(%arg17 : memref<128x128xf32, #tpu.memory_space<vmem>>) offsets(%arg11 : memref<128xi32, #tpu.memory_space<vmem>>) semaphore(%arg25 : memref<!tpu.dma_semaphore, #tpu.memory_space<semaphore_mem>>)
    %dma_start3A_205 = arith.constant 0 : i32
    %dma_start3A_206 = arith.constant 0 : i32
    %dma_start3A_207 = tpu.memref_slice %arg5[%dma_start3A_205, %dma_start3A_206] : memref<1000000x128xf32, #tpu.memory_space<hbm>> -> memref<1000000x128xf32, #tpu.memory_space<hbm>>
    tpu.enqueue_indirect_dma source(%dma_start3A_207 : memref<1000000x128xf32, #tpu.memory_space<hbm>>) target(%arg19 : memref<128x128xf32, #tpu.memory_space<vmem>>) offsets(%arg15 : memref<128xi32, #tpu.memory_space<vmem>>) semaphore(%arg25 : memref<!tpu.dma_semaphore, #tpu.memory_space<semaphore_mem>>)
    %dma_wait3A_208 = arith.constant 0 : i32
    %dma_wait3A_209 = arith.constant 0 : i32
    %dma_wait3A_210 = tpu.memref_slice %arg4[%dma_wait3A_208, %dma_wait3A_209] : memref<100000x128xf32, #tpu.memory_space<hbm>> -> memref<100000x128xf32, #tpu.memory_space<hbm>>
    tpu.wait_indirect_dma semaphore(%arg26 : memref<!tpu.dma_semaphore, #tpu.memory_space<semaphore_mem>>) src(%dma_wait3A_210 : memref<100000x128xf32, #tpu.memory_space<hbm>>) dst(%arg18 : memref<128x128xf32, #tpu.memory_space<vmem>>)
    %dma_wait3A_211 = arith.constant 0 : i32
    %dma_wait3A_212 = arith.constant 0 : i32
    %dma_wait3A_213 = tpu.memref_slice %arg5[%dma_wait3A_211, %dma_wait3A_212] : memref<1000000x128xf32, #tpu.memory_space<hbm>> -> memref<1000000x128xf32, #tpu.memory_space<hbm>>
    tpu.wait_indirect_dma semaphore(%arg26 : memref<!tpu.dma_semaphore, #tpu.memory_space<semaphore_mem>>) src(%dma_wait3A_213 : memref<1000000x128xf32, #tpu.memory_space<hbm>>) dst(%arg20 : memref<128x128xf32, #tpu.memory_space<vmem>>)
    %parallel_loop3A_214 = arith.constant 0 : i32
    %parallel_loop3A_215 = arith.constant 128 : i32
    %parallel_loop3A_216 = arith.constant 1 : i32
    scf.for %parallel_loop3A_241 = %parallel_loop3A_214 to %parallel_loop3A_215 step %parallel_loop3A_216  : i32 {
      %parallel_loop3A_242 = arith.index_cast %parallel_loop3A_241 : i32 to index
      %parallel_loop3A_243 = arith.constant 0 : index
      %parallel_loop3A_244 = tpu.vector_load %arg18[%parallel_loop3A_242, %parallel_loop3A_243] {strides = array<i32>} : memref<128x128xf32, #tpu.memory_space<vmem>>, vector<16xf32>,
      %parallel_loop3A_245 = arith.index_cast %parallel_loop3A_241 : i32 to index
      %parallel_loop3A_246 = arith.constant 0 : index
      %parallel_loop3A_247 = tpu.vector_load %arg20[%parallel_loop3A_245, %parallel_loop3A_246] {strides = array<i32>} : memref<128x128xf32, #tpu.memory_space<vmem>>, vector<16xf32>,
      %parallel_loop3A_248 = arith.mulf %parallel_loop3A_244, %parallel_loop3A_247 : vector<16xf32>
      %parallel_loop3A_249 = arith.index_cast %parallel_loop3A_241 : i32 to index
      %parallel_loop3A_250 = arith.constant 16 : index
      %parallel_loop3A_251 = tpu.vector_load %arg18[%parallel_loop3A_249, %parallel_loop3A_250] {strides = array<i32>} : memref<128x128xf32, #tpu.memory_space<vmem>>, vector<16xf32>,
      %parallel_loop3A_252 = arith.index_cast %parallel_loop3A_241 : i32 to index
      %parallel_loop3A_253 = arith.constant 16 : index
      %parallel_loop3A_254 = tpu.vector_load %arg20[%parallel_loop3A_252, %parallel_loop3A_253] {strides = array<i32>} : memref<128x128xf32, #tpu.memory_space<vmem>>, vector<16xf32>,
      %parallel_loop3A_255 = arith.mulf %parallel_loop3A_251, %parallel_loop3A_254 : vector<16xf32>
      %parallel_loop3A_256 = arith.index_cast %parallel_loop3A_241 : i32 to index
      %parallel_loop3A_257 = arith.constant 32 : index
      %parallel_loop3A_258 = tpu.vector_load %arg18[%parallel_loop3A_256, %parallel_loop3A_257] {strides = array<i32>} : memref<128x128xf32, #tpu.memory_space<vmem>>, vector<16xf32>,
      %parallel_loop3A_259 = arith.index_cast %parallel_loop3A_241 : i32 to index
      %parallel_loop3A_260 = arith.constant 32 : index
      %parallel_loop3A_261 = tpu.vector_load %arg20[%parallel_loop3A_259, %parallel_loop3A_260] {strides = array<i32>} : memref<128x128xf32, #tpu.memory_space<vmem>>, vector<16xf32>,
      %parallel_loop3A_262 = arith.mulf %parallel_loop3A_258, %parallel_loop3A_261 : vector<16xf32>
      %parallel_loop3A_263 = arith.index_cast %parallel_loop3A_241 : i32 to index
      %parallel_loop3A_264 = arith.constant 48 : index
      %parallel_loop3A_265 = tpu.vector_load %arg18[%parallel_loop3A_263, %parallel_loop3A_264] {strides = array<i32>} : memref<128x128xf32, #tpu.memory_space<vmem>>, vector<16xf32>,
      %parallel_loop3A_266 = arith.index_cast %parallel_loop3A_241 : i32 to index
      %parallel_loop3A_267 = arith.constant 48 : index
      %parallel_loop3A_268 = tpu.vector_load %arg20[%parallel_loop3A_266, %parallel_loop3A_267] {strides = array<i32>} : memref<128x128xf32, #tpu.memory_space<vmem>>, vector<16xf32>,
      %parallel_loop3A_269 = arith.mulf %parallel_loop3A_265, %parallel_loop3A_268 : vector<16xf32>
      %parallel_loop3A_270 = arith.index_cast %parallel_loop3A_241 : i32 to index
      %parallel_loop3A_271 = arith.constant 64 : index
      %parallel_loop3A_272 = tpu.vector_load %arg18[%parallel_loop3A_270, %parallel_loop3A_271] {strides = array<i32>} : memref<128x128xf32, #tpu.memory_space<vmem>>, vector<16xf32>,
      %parallel_loop3A_273 = arith.index_cast %parallel_loop3A_241 : i32 to index
      %parallel_loop3A_274 = arith.constant 64 : index
      %parallel_loop3A_275 = tpu.vector_load %arg20[%parallel_loop3A_273, %parallel_loop3A_274] {strides = array<i32>} : memref<128x128xf32, #tpu.memory_space<vmem>>, vector<16xf32>,
      %parallel_loop3A_276 = arith.mulf %parallel_loop3A_272, %parallel_loop3A_275 : vector<16xf32>
      %parallel_loop3A_277 = arith.index_cast %parallel_loop3A_241 : i32 to index
      %parallel_loop3A_278 = arith.constant 80 : index
      %parallel_loop3A_279 = tpu.vector_load %arg18[%parallel_loop3A_277, %parallel_loop3A_278] {strides = array<i32>} : memref<128x128xf32, #tpu.memory_space<vmem>>, vector<16xf32>,
      %parallel_loop3A_280 = arith.index_cast %parallel_loop3A_241 : i32 to index
      %parallel_loop3A_281 = arith.constant 80 : index
      %parallel_loop3A_282 = tpu.vector_load %arg20[%parallel_loop3A_280, %parallel_loop3A_281] {strides = array<i32>} : memref<128x128xf32, #tpu.memory_space<vmem>>, vector<16xf32>,
      %parallel_loop3A_283 = arith.mulf %parallel_loop3A_279, %parallel_loop3A_282 : vector<16xf32>
      %parallel_loop3A_284 = arith.index_cast %parallel_loop3A_241 : i32 to index
      %parallel_loop3A_285 = arith.constant 96 : index
      %parallel_loop3A_286 = tpu.vector_load %arg18[%parallel_loop3A_284, %parallel_loop3A_285] {strides = array<i32>} : memref<128x128xf32, #tpu.memory_space<vmem>>, vector<16xf32>,
      %parallel_loop3A_287 = arith.index_cast %parallel_loop3A_241 : i32 to index
      %parallel_loop3A_288 = arith.constant 96 : index
      %parallel_loop3A_289 = tpu.vector_load %arg20[%parallel_loop3A_287, %parallel_loop3A_288] {strides = array<i32>} : memref<128x128xf32, #tpu.memory_space<vmem>>, vector<16xf32>,
      %parallel_loop3A_290 = arith.mulf %parallel_loop3A_286, %parallel_loop3A_289 : vector<16xf32>
      %parallel_loop3A_291 = arith.index_cast %parallel_loop3A_241 : i32 to index
      %parallel_loop3A_292 = arith.constant 112 : index
      %parallel_loop3A_293 = tpu.vector_load %arg18[%parallel_loop3A_291, %parallel_loop3A_292] {strides = array<i32>} : memref<128x128xf32, #tpu.memory_space<vmem>>, vector<16xf32>,
      %parallel_loop3A_294 = arith.index_cast %parallel_loop3A_241 : i32 to index
      %parallel_loop3A_295 = arith.constant 112 : index
      %parallel_loop3A_296 = tpu.vector_load %arg20[%parallel_loop3A_294, %parallel_loop3A_295] {strides = array<i32>} : memref<128x128xf32, #tpu.memory_space<vmem>>, vector<16xf32>,
      %parallel_loop3A_297 = arith.mulf %parallel_loop3A_293, %parallel_loop3A_296 : vector<16xf32>
      %parallel_loop3A_298 = arith.addf %parallel_loop3A_248, %parallel_loop3A_255 : vector<16xf32>
      %parallel_loop3A_299 = arith.addf %parallel_loop3A_262, %parallel_loop3A_269 : vector<16xf32>
      %parallel_loop3A_300 = arith.addf %parallel_loop3A_298, %parallel_loop3A_299 : vector<16xf32>
      %parallel_loop3A_301 = arith.addf %parallel_loop3A_276, %parallel_loop3A_283 : vector<16xf32>
      %parallel_loop3A_302 = arith.addf %parallel_loop3A_290, %parallel_loop3A_297 : vector<16xf32>
      %parallel_loop3A_303 = arith.addf %parallel_loop3A_301, %parallel_loop3A_302 : vector<16xf32>
      %parallel_loop3A_304 = arith.addf %parallel_loop3A_300, %parallel_loop3A_303 : vector<16xf32>
      %parallel_loop3A_305 = arith.constant 128 : i32
      %parallel_loop3A_306 = arith.addi %parallel_loop3A_305, %parallel_loop3A_241 : i32
      %parallel_loop3A_307 = vector.broadcast %parallel_loop3A_306 : i32 to vector<16xi32>
      tpu.vector_store_idx %arg23[%parallel_loop3A_307], %parallel_loop3A_304 {add = true} : memref<512xf32, #tpu.memory_space<vmem>>[vector<16xi32>], vector<16xf32>,
    } {sc.loop_unroll_factor = 4 : i64, sc.parallel_access}
    %dma_start3A_217 = arith.constant 0 : i32
    %dma_start3A_218 = arith.constant 0 : i32
    %dma_start3A_219 = tpu.memref_slice %arg4[%dma_start3A_217, %dma_start3A_218] : memref<100000x128xf32, #tpu.memory_space<hbm>> -> memref<100000x128xf32, #tpu.memory_space<hbm>>
    tpu.enqueue_indirect_dma source(%dma_start3A_219 : memref<100000x128xf32, #tpu.memory_space<hbm>>) target(%arg18 : memref<128x128xf32, #tpu.memory_space<vmem>>) offsets(%arg12 : memref<128xi32, #tpu.memory_space<vmem>>) semaphore(%arg26 : memref<!tpu.dma_semaphore, #tpu.memory_space<semaphore_mem>>)
    %dma_start3A_220 = arith.constant 0 : i32
    %dma_start3A_221 = arith.constant 0 : i32
    %dma_start3A_222 = tpu.memref_slice %arg5[%dma_start3A_220, %dma_start3A_221] : memref<1000000x128xf32, #tpu.memory_space<hbm>> -> memref<1000000x128xf32, #tpu.memory_space<hbm>>
    tpu.enqueue_indirect_dma source(%dma_start3A_222 : memref<1000000x128xf32, #tpu.memory_space<hbm>>) target(%arg20 : memref<128x128xf32, #tpu.memory_space<vmem>>) offsets(%arg16 : memref<128xi32, #tpu.memory_space<vmem>>) semaphore(%arg26 : memref<!tpu.dma_semaphore, #tpu.memory_space<semaphore_mem>>)
    %dma_wait3A_223 = arith.constant 0 : i32
    %dma_wait3A_224 = arith.constant 0 : i32
    %dma_wait3A_225 = tpu.memref_slice %arg4[%dma_wait3A_223, %dma_wait3A_224] : memref<100000x128xf32, #tpu.memory_space<hbm>> -> memref<100000x128xf32, #tpu.memory_space<hbm>>
    tpu.wait_indirect_dma semaphore(%arg25 : memref<!tpu.dma_semaphore, #tpu.memory_space<semaphore_mem>>) src(%dma_wait3A_225 : memref<100000x128xf32, #tpu.memory_space<hbm>>) dst(%arg17 : memref<128x128xf32, #tpu.memory_space<vmem>>)
    %dma_wait3A_226 = arith.constant 0 : i32
    %dma_wait3A_227 = arith.constant 0 : i32
    %dma_wait3A_228 = tpu.memref_slice %arg5[%dma_wait3A_226, %dma_wait3A_227] : memref<1000000x128xf32, #tpu.memory_space<hbm>> -> memref<1000000x128xf32, #tpu.memory_space<hbm>>
    tpu.wait_indirect_dma semaphore(%arg25 : memref<!tpu.dma_semaphore, #tpu.memory_space<semaphore_mem>>) src(%dma_wait3A_228 : memref<1000000x128xf32, #tpu.memory_space<hbm>>) dst(%arg19 : memref<128x128xf32, #tpu.memory_space<vmem>>)
    %parallel_loop3A_229 = arith.constant 0 : i32
    %parallel_loop3A_230 = arith.constant 128 : i32
    %parallel_loop3A_231 = arith.constant 1 : i32
    scf.for %parallel_loop3A_241 = %parallel_loop3A_229 to %parallel_loop3A_230 step %parallel_loop3A_231  : i32 {
      %parallel_loop3A_242 = arith.index_cast %parallel_loop3A_241 : i32 to index
      %parallel_loop3A_243 = arith.constant 0 : index
      %parallel_loop3A_244 = tpu.vector_load %arg17[%parallel_loop3A_242, %parallel_loop3A_243] {strides = array<i32>} : memref<128x128xf32, #tpu.memory_space<vmem>>, vector<16xf32>,
      %parallel_loop3A_245 = arith.index_cast %parallel_loop3A_241 : i32 to index
      %parallel_loop3A_246 = arith.constant 0 : index
      %parallel_loop3A_247 = tpu.vector_load %arg19[%parallel_loop3A_245, %parallel_loop3A_246] {strides = array<i32>} : memref<128x128xf32, #tpu.memory_space<vmem>>, vector<16xf32>,
      %parallel_loop3A_248 = arith.mulf %parallel_loop3A_244, %parallel_loop3A_247 : vector<16xf32>
      %parallel_loop3A_249 = arith.index_cast %parallel_loop3A_241 : i32 to index
      %parallel_loop3A_250 = arith.constant 16 : index
      %parallel_loop3A_251 = tpu.vector_load %arg17[%parallel_loop3A_249, %parallel_loop3A_250] {strides = array<i32>} : memref<128x128xf32, #tpu.memory_space<vmem>>, vector<16xf32>,
      %parallel_loop3A_252 = arith.index_cast %parallel_loop3A_241 : i32 to index
      %parallel_loop3A_253 = arith.constant 16 : index
      %parallel_loop3A_254 = tpu.vector_load %arg19[%parallel_loop3A_252, %parallel_loop3A_253] {strides = array<i32>} : memref<128x128xf32, #tpu.memory_space<vmem>>, vector<16xf32>,
      %parallel_loop3A_255 = arith.mulf %parallel_loop3A_251, %parallel_loop3A_254 : vector<16xf32>
      %parallel_loop3A_256 = arith.index_cast %parallel_loop3A_241 : i32 to index
      %parallel_loop3A_257 = arith.constant 32 : index
      %parallel_loop3A_258 = tpu.vector_load %arg17[%parallel_loop3A_256, %parallel_loop3A_257] {strides = array<i32>} : memref<128x128xf32, #tpu.memory_space<vmem>>, vector<16xf32>,
      %parallel_loop3A_259 = arith.index_cast %parallel_loop3A_241 : i32 to index
      %parallel_loop3A_260 = arith.constant 32 : index
      %parallel_loop3A_261 = tpu.vector_load %arg19[%parallel_loop3A_259, %parallel_loop3A_260] {strides = array<i32>} : memref<128x128xf32, #tpu.memory_space<vmem>>, vector<16xf32>,
      %parallel_loop3A_262 = arith.mulf %parallel_loop3A_258, %parallel_loop3A_261 : vector<16xf32>
      %parallel_loop3A_263 = arith.index_cast %parallel_loop3A_241 : i32 to index
      %parallel_loop3A_264 = arith.constant 48 : index
      %parallel_loop3A_265 = tpu.vector_load %arg17[%parallel_loop3A_263, %parallel_loop3A_264] {strides = array<i32>} : memref<128x128xf32, #tpu.memory_space<vmem>>, vector<16xf32>,
      %parallel_loop3A_266 = arith.index_cast %parallel_loop3A_241 : i32 to index
      %parallel_loop3A_267 = arith.constant 48 : index
      %parallel_loop3A_268 = tpu.vector_load %arg19[%parallel_loop3A_266, %parallel_loop3A_267] {strides = array<i32>} : memref<128x128xf32, #tpu.memory_space<vmem>>, vector<16xf32>,
      %parallel_loop3A_269 = arith.mulf %parallel_loop3A_265, %parallel_loop3A_268 : vector<16xf32>
      %parallel_loop3A_270 = arith.index_cast %parallel_loop3A_241 : i32 to index
      %parallel_loop3A_271 = arith.constant 64 : index
      %parallel_loop3A_272 = tpu.vector_load %arg17[%parallel_loop3A_270, %parallel_loop3A_271] {strides = array<i32>} : memref<128x128xf32, #tpu.memory_space<vmem>>, vector<16xf32>,
      %parallel_loop3A_273 = arith.index_cast %parallel_loop3A_241 : i32 to index
      %parallel_loop3A_274 = arith.constant 64 : index
      %parallel_loop3A_275 = tpu.vector_load %arg19[%parallel_loop3A_273, %parallel_loop3A_274] {strides = array<i32>} : memref<128x128xf32, #tpu.memory_space<vmem>>, vector<16xf32>,
      %parallel_loop3A_276 = arith.mulf %parallel_loop3A_272, %parallel_loop3A_275 : vector<16xf32>
      %parallel_loop3A_277 = arith.index_cast %parallel_loop3A_241 : i32 to index
      %parallel_loop3A_278 = arith.constant 80 : index
      %parallel_loop3A_279 = tpu.vector_load %arg17[%parallel_loop3A_277, %parallel_loop3A_278] {strides = array<i32>} : memref<128x128xf32, #tpu.memory_space<vmem>>, vector<16xf32>,
      %parallel_loop3A_280 = arith.index_cast %parallel_loop3A_241 : i32 to index
      %parallel_loop3A_281 = arith.constant 80 : index
      %parallel_loop3A_282 = tpu.vector_load %arg19[%parallel_loop3A_280, %parallel_loop3A_281] {strides = array<i32>} : memref<128x128xf32, #tpu.memory_space<vmem>>, vector<16xf32>,
      %parallel_loop3A_283 = arith.mulf %parallel_loop3A_279, %parallel_loop3A_282 : vector<16xf32>
      %parallel_loop3A_284 = arith.index_cast %parallel_loop3A_241 : i32 to index
      %parallel_loop3A_285 = arith.constant 96 : index
      %parallel_loop3A_286 = tpu.vector_load %arg17[%parallel_loop3A_284, %parallel_loop3A_285] {strides = array<i32>} : memref<128x128xf32, #tpu.memory_space<vmem>>, vector<16xf32>,
      %parallel_loop3A_287 = arith.index_cast %parallel_loop3A_241 : i32 to index
      %parallel_loop3A_288 = arith.constant 96 : index
      %parallel_loop3A_289 = tpu.vector_load %arg19[%parallel_loop3A_287, %parallel_loop3A_288] {strides = array<i32>} : memref<128x128xf32, #tpu.memory_space<vmem>>, vector<16xf32>,
      %parallel_loop3A_290 = arith.mulf %parallel_loop3A_286, %parallel_loop3A_289 : vector<16xf32>
      %parallel_loop3A_291 = arith.index_cast %parallel_loop3A_241 : i32 to index
      %parallel_loop3A_292 = arith.constant 112 : index
      %parallel_loop3A_293 = tpu.vector_load %arg17[%parallel_loop3A_291, %parallel_loop3A_292] {strides = array<i32>} : memref<128x128xf32, #tpu.memory_space<vmem>>, vector<16xf32>,
      %parallel_loop3A_294 = arith.index_cast %parallel_loop3A_241 : i32 to index
      %parallel_loop3A_295 = arith.constant 112 : index
      %parallel_loop3A_296 = tpu.vector_load %arg19[%parallel_loop3A_294, %parallel_loop3A_295] {strides = array<i32>} : memref<128x128xf32, #tpu.memory_space<vmem>>, vector<16xf32>,
      %parallel_loop3A_297 = arith.mulf %parallel_loop3A_293, %parallel_loop3A_296 : vector<16xf32>
      %parallel_loop3A_298 = arith.addf %parallel_loop3A_248, %parallel_loop3A_255 : vector<16xf32>
      %parallel_loop3A_299 = arith.addf %parallel_loop3A_262, %parallel_loop3A_269 : vector<16xf32>
      %parallel_loop3A_300 = arith.addf %parallel_loop3A_298, %parallel_loop3A_299 : vector<16xf32>
      %parallel_loop3A_301 = arith.addf %parallel_loop3A_276, %parallel_loop3A_283 : vector<16xf32>
      %parallel_loop3A_302 = arith.addf %parallel_loop3A_290, %parallel_loop3A_297 : vector<16xf32>
      %parallel_loop3A_303 = arith.addf %parallel_loop3A_301, %parallel_loop3A_302 : vector<16xf32>
      %parallel_loop3A_304 = arith.addf %parallel_loop3A_300, %parallel_loop3A_303 : vector<16xf32>
      %parallel_loop3A_305 = arith.constant 256 : i32
      %parallel_loop3A_306 = arith.addi %parallel_loop3A_305, %parallel_loop3A_241 : i32
      %parallel_loop3A_307 = vector.broadcast %parallel_loop3A_306 : i32 to vector<16xi32>
      tpu.vector_store_idx %arg23[%parallel_loop3A_307], %parallel_loop3A_304 {add = true} : memref<512xf32, #tpu.memory_space<vmem>>[vector<16xi32>], vector<16xf32>,
    } {sc.loop_unroll_factor = 4 : i64, sc.parallel_access}
    %dma_wait3A_232 = arith.constant 0 : i32
    %dma_wait3A_233 = arith.constant 0 : i32
    %dma_wait3A_234 = tpu.memref_slice %arg4[%dma_wait3A_232, %dma_wait3A_233] : memref<100000x128xf32, #tpu.memory_space<hbm>> -> memref<100000x128xf32, #tpu.memory_space<hbm>>
    tpu.wait_indirect_dma semaphore(%arg26 : memref<!tpu.dma_semaphore, #tpu.memory_space<semaphore_mem>>) src(%dma_wait3A_234 : memref<100000x128xf32, #tpu.memory_space<hbm>>) dst(%arg18 : memref<128x128xf32, #tpu.memory_space<vmem>>)
    %dma_wait3A_235 = arith.constant 0 : i32
    %dma_wait3A_236 = arith.constant 0 : i32
    %dma_wait3A_237 = tpu.memref_slice %arg5[%dma_wait3A_235, %dma_wait3A_236] : memref<1000000x128xf32, #tpu.memory_space<hbm>> -> memref<1000000x128xf32, #tpu.memory_space<hbm>>
    tpu.wait_indirect_dma semaphore(%arg26 : memref<!tpu.dma_semaphore, #tpu.memory_space<semaphore_mem>>) src(%dma_wait3A_237 : memref<1000000x128xf32, #tpu.memory_space<hbm>>) dst(%arg20 : memref<128x128xf32, #tpu.memory_space<vmem>>)
    %parallel_loop3A_238 = arith.constant 0 : i32
    %parallel_loop3A_239 = arith.constant 128 : i32
    %parallel_loop3A_240 = arith.constant 1 : i32
    scf.for %parallel_loop3A_241 = %parallel_loop3A_238 to %parallel_loop3A_239 step %parallel_loop3A_240  : i32 {
      %parallel_loop3A_242 = arith.index_cast %parallel_loop3A_241 : i32 to index
      %parallel_loop3A_243 = arith.constant 0 : index
      %parallel_loop3A_244 = tpu.vector_load %arg18[%parallel_loop3A_242, %parallel_loop3A_243] {strides = array<i32>} : memref<128x128xf32, #tpu.memory_space<vmem>>, vector<16xf32>,
      %parallel_loop3A_245 = arith.index_cast %parallel_loop3A_241 : i32 to index
      %parallel_loop3A_246 = arith.constant 0 : index
      %parallel_loop3A_247 = tpu.vector_load %arg20[%parallel_loop3A_245, %parallel_loop3A_246] {strides = array<i32>} : memref<128x128xf32, #tpu.memory_space<vmem>>, vector<16xf32>,
      %parallel_loop3A_248 = arith.mulf %parallel_loop3A_244, %parallel_loop3A_247 : vector<16xf32>
      %parallel_loop3A_249 = arith.index_cast %parallel_loop3A_241 : i32 to index
      %parallel_loop3A_250 = arith.constant 16 : index
      %parallel_loop3A_251 = tpu.vector_load %arg18[%parallel_loop3A_249, %parallel_loop3A_250] {strides = array<i32>} : memref<128x128xf32, #tpu.memory_space<vmem>>, vector<16xf32>,
      %parallel_loop3A_252 = arith.index_cast %parallel_loop3A_241 : i32 to index
      %parallel_loop3A_253 = arith.constant 16 : index
      %parallel_loop3A_254 = tpu.vector_load %arg20[%parallel_loop3A_252, %parallel_loop3A_253] {strides = array<i32>} : memref<128x128xf32, #tpu.memory_space<vmem>>, vector<16xf32>,
      %parallel_loop3A_255 = arith.mulf %parallel_loop3A_251, %parallel_loop3A_254 : vector<16xf32>
      %parallel_loop3A_256 = arith.index_cast %parallel_loop3A_241 : i32 to index
      %parallel_loop3A_257 = arith.constant 32 : index
      %parallel_loop3A_258 = tpu.vector_load %arg18[%parallel_loop3A_256, %parallel_loop3A_257] {strides = array<i32>} : memref<128x128xf32, #tpu.memory_space<vmem>>, vector<16xf32>,
      %parallel_loop3A_259 = arith.index_cast %parallel_loop3A_241 : i32 to index
      %parallel_loop3A_260 = arith.constant 32 : index
      %parallel_loop3A_261 = tpu.vector_load %arg20[%parallel_loop3A_259, %parallel_loop3A_260] {strides = array<i32>} : memref<128x128xf32, #tpu.memory_space<vmem>>, vector<16xf32>,
      %parallel_loop3A_262 = arith.mulf %parallel_loop3A_258, %parallel_loop3A_261 : vector<16xf32>
      %parallel_loop3A_263 = arith.index_cast %parallel_loop3A_241 : i32 to index
      %parallel_loop3A_264 = arith.constant 48 : index
      %parallel_loop3A_265 = tpu.vector_load %arg18[%parallel_loop3A_263, %parallel_loop3A_264] {strides = array<i32>} : memref<128x128xf32, #tpu.memory_space<vmem>>, vector<16xf32>,
      %parallel_loop3A_266 = arith.index_cast %parallel_loop3A_241 : i32 to index
      %parallel_loop3A_267 = arith.constant 48 : index
      %parallel_loop3A_268 = tpu.vector_load %arg20[%parallel_loop3A_266, %parallel_loop3A_267] {strides = array<i32>} : memref<128x128xf32, #tpu.memory_space<vmem>>, vector<16xf32>,
      %parallel_loop3A_269 = arith.mulf %parallel_loop3A_265, %parallel_loop3A_268 : vector<16xf32>
      %parallel_loop3A_270 = arith.index_cast %parallel_loop3A_241 : i32 to index
      %parallel_loop3A_271 = arith.constant 64 : index
      %parallel_loop3A_272 = tpu.vector_load %arg18[%parallel_loop3A_270, %parallel_loop3A_271] {strides = array<i32>} : memref<128x128xf32, #tpu.memory_space<vmem>>, vector<16xf32>,
      %parallel_loop3A_273 = arith.index_cast %parallel_loop3A_241 : i32 to index
      %parallel_loop3A_274 = arith.constant 64 : index
      %parallel_loop3A_275 = tpu.vector_load %arg20[%parallel_loop3A_273, %parallel_loop3A_274] {strides = array<i32>} : memref<128x128xf32, #tpu.memory_space<vmem>>, vector<16xf32>,
      %parallel_loop3A_276 = arith.mulf %parallel_loop3A_272, %parallel_loop3A_275 : vector<16xf32>
      %parallel_loop3A_277 = arith.index_cast %parallel_loop3A_241 : i32 to index
      %parallel_loop3A_278 = arith.constant 80 : index
      %parallel_loop3A_279 = tpu.vector_load %arg18[%parallel_loop3A_277, %parallel_loop3A_278] {strides = array<i32>} : memref<128x128xf32, #tpu.memory_space<vmem>>, vector<16xf32>,
      %parallel_loop3A_280 = arith.index_cast %parallel_loop3A_241 : i32 to index
      %parallel_loop3A_281 = arith.constant 80 : index
      %parallel_loop3A_282 = tpu.vector_load %arg20[%parallel_loop3A_280, %parallel_loop3A_281] {strides = array<i32>} : memref<128x128xf32, #tpu.memory_space<vmem>>, vector<16xf32>,
      %parallel_loop3A_283 = arith.mulf %parallel_loop3A_279, %parallel_loop3A_282 : vector<16xf32>
      %parallel_loop3A_284 = arith.index_cast %parallel_loop3A_241 : i32 to index
      %parallel_loop3A_285 = arith.constant 96 : index
      %parallel_loop3A_286 = tpu.vector_load %arg18[%parallel_loop3A_284, %parallel_loop3A_285] {strides = array<i32>} : memref<128x128xf32, #tpu.memory_space<vmem>>, vector<16xf32>,
      %parallel_loop3A_287 = arith.index_cast %parallel_loop3A_241 : i32 to index
      %parallel_loop3A_288 = arith.constant 96 : index
      %parallel_loop3A_289 = tpu.vector_load %arg20[%parallel_loop3A_287, %parallel_loop3A_288] {strides = array<i32>} : memref<128x128xf32, #tpu.memory_space<vmem>>, vector<16xf32>,
      %parallel_loop3A_290 = arith.mulf %parallel_loop3A_286, %parallel_loop3A_289 : vector<16xf32>
      %parallel_loop3A_291 = arith.index_cast %parallel_loop3A_241 : i32 to index
      %parallel_loop3A_292 = arith.constant 112 : index
      %parallel_loop3A_293 = tpu.vector_load %arg18[%parallel_loop3A_291, %parallel_loop3A_292] {strides = array<i32>} : memref<128x128xf32, #tpu.memory_space<vmem>>, vector<16xf32>,
      %parallel_loop3A_294 = arith.index_cast %parallel_loop3A_241 : i32 to index
      %parallel_loop3A_295 = arith.constant 112 : index
      %parallel_loop3A_296 = tpu.vector_load %arg20[%parallel_loop3A_294, %parallel_loop3A_295] {strides = array<i32>} : memref<128x128xf32, #tpu.memory_space<vmem>>, vector<16xf32>,
      %parallel_loop3A_297 = arith.mulf %parallel_loop3A_293, %parallel_loop3A_296 : vector<16xf32>
      %parallel_loop3A_298 = arith.addf %parallel_loop3A_248, %parallel_loop3A_255 : vector<16xf32>
      %parallel_loop3A_299 = arith.addf %parallel_loop3A_262, %parallel_loop3A_269 : vector<16xf32>
      %parallel_loop3A_300 = arith.addf %parallel_loop3A_298, %parallel_loop3A_299 : vector<16xf32>
      %parallel_loop3A_301 = arith.addf %parallel_loop3A_276, %parallel_loop3A_283 : vector<16xf32>
      %parallel_loop3A_302 = arith.addf %parallel_loop3A_290, %parallel_loop3A_297 : vector<16xf32>
      %parallel_loop3A_303 = arith.addf %parallel_loop3A_301, %parallel_loop3A_302 : vector<16xf32>
      %parallel_loop3A_304 = arith.addf %parallel_loop3A_300, %parallel_loop3A_303 : vector<16xf32>
      %parallel_loop3A_305 = arith.constant 384 : i32
      %parallel_loop3A_306 = arith.addi %parallel_loop3A_305, %parallel_loop3A_241 : i32
      %parallel_loop3A_307 = vector.broadcast %parallel_loop3A_306 : i32 to vector<16xi32>
      tpu.vector_store_idx %arg23[%parallel_loop3A_307], %parallel_loop3A_304 {add = true} : memref<512xf32, #tpu.memory_space<vmem>>[vector<16xi32>], vector<16xf32>,
    } {sc.loop_unroll_factor = 4 : i64, sc.parallel_access}
    "tpu.region"() ({
      %run_scoped3A = tpu.sem_alloc : memref<!tpu.dma_semaphore, #tpu.memory_space<semaphore_mem>>
      %dma_start3A_241 = tpu.memref_slice %arg8[%mul3A_2] : memref<16384xf32, #tpu.memory_space<hbm>> -> memref<512xf32, #tpu.memory_space<hbm>>
      %dma_start3A_242 = tpu.memref_slice %arg8[%mul3A_2] : memref<16384xf32, #tpu.memory_space<hbm>> -> memref<512xf32, #tpu.memory_space<hbm>>
      tpu.enqueue_dma source(%arg23 : memref<512xf32, #tpu.memory_space<vmem>>) target(%dma_start3A_242 : memref<512xf32, #tpu.memory_space<hbm>>) target_semaphore(%run_scoped3A : memref<!tpu.dma_semaphore, #tpu.memory_space<semaphore_mem>>)
      %dma_wait3A_243 = tpu.memref_slice %arg8[%mul3A_2] : memref<16384xf32, #tpu.memory_space<hbm>> -> memref<512xf32, #tpu.memory_space<hbm>>
      %dma_wait3A_244 = tpu.memref_slice %arg8[%mul3A_2] : memref<16384xf32, #tpu.memory_space<hbm>> -> memref<512xf32, #tpu.memory_space<hbm>>
      tpu.wait_dma2 semaphore(%run_scoped3A : memref<!tpu.dma_semaphore, #tpu.memory_space<semaphore_mem>>) src(%arg23 : memref<512xf32, #tpu.memory_space<vmem>>) dst(%dma_wait3A_244 : memref<512xf32, #tpu.memory_space<hbm>>)
      tpu.yield
    }) : () -> ()
    return
  }
}

</mosaic_0001>

<sc_bundles>
// kernel: kernel.3.cloned.1.call-start
scs
__scs_entry_jumppad:
0x0: {  	(pc) =	sbr.rel $0x88, $3  }
0x1: {  	(tag) =	ssettag $0x0;
	lr =	simm.s32 $0x1  }
0x2: {  	[smem:$0x3F9A] =	sst lr;
	_ =	strace $0xD0000000  }
0x3: {  	_ = 	snop  }
0x4: {  	_ = 	snop  }
0x5: {  	_ = 	snop  }
0x6: {  	_ = 	snop  }
0x7: {  	_ = 	snop  }
__scs_overlays_trampoline_lowered:
0x8: {  	[smem:$0x3FA9] =	sst s0  }
0x9: {  	[smem:$0x3FAA] =	sst s1  }
0xa: {  	[smem:$0x3FAB] =	sst s2  }
0xb: {  	[smem:$0x3FAC] =	sst s3  }
0xc: {  	[smem:$0x3FAD] =	sst s4  }
0xd: {  	[smem:$0x3FAE] =	sst s5  }
0xe: {  	[smem:$0x3FAF] =	sst s6  }
0xf: {  	[smem:$0x3FB0] =	sst s7  }
0x10: {  	[smem:$0x3FB1] =	sst s8  }
0x11: {  	[smem:$0x3FB2] =	sst s9;
	s0 =	simm.s32 @!p0 $0x0  }
0x12: {  	s1 =	sld [smem:$0x3F98];
	s0 =	simm.s32 @p0 $0x1  }
0x13: {  	[smem:$0x3FB3] =	sst s0;
	s0 =	simm.s32 @!p1 $0x0  }
0x14: {  	s2 =	sld [smem:$0x3F97];
	s0 =	simm.s32 @p1 $0x1  }
0x15: {  	[smem:$0x3FB4] =	sst s0;
	s0 =	simm.s32 @!p2 $0x0  }
0x16: {  	s3 =	sld [smem:$0x3FDB];
	s0 =	simm.s32 @p2 $0x1  }
0x17: {  	s4 =	simm.s32 $0x1BF5;
	[smem:$0x3FB6] =	sst s0  }
0x18: {  	s0 =	sld [smem:$0x3F99];
	_ =	swait.ge [sflag:s4], $0x0  }
0x19: {  	s7 =	sld [smem:$0x3F9A]  }
0x1a: {  	s8 =	sadd.s32 $0xFFFFE003, lr  }
0x1b: {  	s9 =	sadd.s32 $0xFFFFFEF7, lr;
	s5 =	simm.s32 $0xFFFFFFFF;
	p2 =	slt.u32 s8, $0xFFFFF086  }
0x1c: {  	p1 =	slt.u32 s9, $0xF7A;
	s5 =	simm.s32 @!p2 $0x0  }
0x1d: {  	s5 =	simm.s32 @p1 $0x1;
	p0 =	seq.s32 s7, s2  }
0x1e: {  	s7 =	smul.u32 @!p0 $0xF7A, s2;
	p2 =	seq.s32 @!p0 s5, $0x0  }
0x1f: {  	s9 =	smul.u32 $0xF7A, s1;
	s8 =	simm.s32 @!p0 $0x1BF5;
	p2 =	por !p2, p0  }
0x20: {  	[sflag:s8] =	ssyncset.s32 @!p0 $0xFFFFF086;
	s6 =	sadd.s32 @!p0 s3, s7;
	s7 =	simm.s32 @!p0 $0x108  }
0x21: {  	s3 =	sadd.s32 s3, s9;
	s6 =	sadd.s32 @!p0 $0x88, s6;
	s7 =	simm.s32 @p2 $0x1082  }
0x22: {  	[simem:s7], [sflag:s8] =	dma.local @!p0 [hbm:s6], $0xF7A  }
0x23: {  	s9 =	sor.u32 $0xD0000000, s2;
	s6 =	simm.s32 $0x108;
	_ =	swait.ge @!p0 [sflag:s8], $0x0  }
0x24: {  	s3 =	sadd.s32 $0x88, s3;
	s6 =	simm.s32 @!p1 $0x1082;
	[sflag:s4] =	ssyncset.s32 $0xFFFFF086  }
0x25: {  	[simem:s6], [sflag:s4] =	dma.local [hbm:s3], $0xF7A  }
0x26: {  	[smem:$0x3F9A] =	sst s1;
	(tag) =	ssettag s2;
	_ =	strace s9  }
0x27: {  	s1 =	sld [smem:$0x3FAA]  }
0x28: {  	s2 =	sld [smem:$0x3FAB]  }
0x29: {  	s4 =	sld [smem:$0x3FAD]  }
0x2a: {  	p0 =	seq.s32 s5, $0x0;
	s5 =	sld [smem:$0x3FAE]  }
0x2b: {  	s6 =	sld [smem:$0x3FAF]  }
0x2c: {  	s7 =	sld [smem:$0x3FB0]  }
0x2d: {  	s3 =	simm.s32 $0x108;
	s8 =	sld [smem:$0x3FB1]  }
0x2e: {  	s3 =	simm.s32 @!p0 $0x1082;
	s9 =	sld [smem:$0x3FB2]  }
0x2f: {  	lr =	sadd.s32 s0, s3;
	s0 =	sld [smem:$0x3FA9]  }
0x30: {  	s3 =	sld [smem:$0x3FAC]  }
0x31: {  	[smem:$0x3FB5] =	sst s10  }
0x32: {  	s10 =	sld [smem:$0x3FB3];
	_ =	sdelay $0x3  }
0x33: {  	p0 =	seq.s32 s10, $0x1;
	s10 =	sld [smem:$0x3FB5];
	_ =	sdelay $0x3  }
0x34: {  	[smem:$0x3FB5] =	sst s10  }
0x35: {  	s10 =	sld [smem:$0x3FB4];
	_ =	sdelay $0x3  }
0x36: {  	p1 =	seq.s32 s10, $0x1;
	s10 =	sld [smem:$0x3FB5];
	_ =	sdelay $0x3  }
0x37: {  	[smem:$0x3FB5] =	sst s10  }
0x38: {  	s10 =	sld [smem:$0x3FB6]  }
0x39: {  	_ = 	snop;
	(pc) =	sbr.ind lr, $3  }
0x3a: {  	_ = 	snop  }
0x3b: {  	_ = 	snop  }
0x3c: {  	p2 =	seq.s32 s10, $0x1;
	s10 =	sld [smem:$0x3FB5]  }
0x3d: {  	_ =	shalt  }
0x3e: {  	_ =	shalt  }
0x3f: {  	_ =	shalt  }
0x40: {  	_ =	shalt  }
0x41: {  	_ =	shalt  }
0x42: {  	_ =	shalt  }
0x43: {  	_ =	shalt  }
0x44: {  	_ =	shalt  }
0x45: {  	_ =	shalt  }
0x46: {  	_ =	shalt  }
0x47: {  	_ =	shalt  }
0x48: {  	_ =	shalt  }
0x49: {  	_ =	shalt  }
0x4a: {  	_ =	shalt  }
0x4b: {  	_ =	shalt  }
0x4c: {  	_ =	shalt  }
0x4d: {  	_ =	shalt  }
0x4e: {  	_ =	shalt  }
0x4f: {  	_ =	shalt  }
0x50: {  	_ =	shalt  }
0x51: {  	_ =	shalt  }
0x52: {  	_ =	shalt  }
0x53: {  	_ =	shalt  }
0x54: {  	_ =	shalt  }
0x55: {  	_ =	shalt  }
0x56: {  	_ =	shalt  }
0x57: {  	_ =	shalt  }
0x58: {  	_ =	shalt  }
0x59: {  	_ =	shalt  }
0x5a: {  	_ =	shalt  }
0x5b: {  	_ =	shalt  }
0x5c: {  	_ =	shalt  }
0x5d: {  	_ =	shalt  }
0x5e: {  	_ =	shalt  }
0x5f: {  	_ =	shalt  }
0x60: {  	_ =	shalt  }
0x61: {  	_ =	shalt  }
0x62: {  	_ =	shalt  }
0x63: {  	_ =	shalt  }
0x64: {  	_ =	shalt  }
0x65: {  	_ =	shalt  }
0x66: {  	_ =	shalt  }
0x67: {  	_ =	shalt  }
0x68: {  	_ =	shalt  }
0x69: {  	_ =	shalt  }
0x6a: {  	_ =	shalt  }
0x6b: {  	_ =	shalt  }
0x6c: {  	_ =	shalt  }
0x6d: {  	_ =	shalt  }
0x6e: {  	_ =	shalt  }
0x6f: {  	_ =	shalt  }
0x70: {  	_ =	shalt  }
0x71: {  	_ =	shalt  }
0x72: {  	_ =	shalt  }
0x73: {  	_ =	shalt  }
0x74: {  	_ =	shalt  }
0x75: {  	_ =	shalt  }
0x76: {  	_ =	shalt  }
0x77: {  	_ =	shalt  }
0x78: {  	_ =	shalt  }
0x79: {  	_ =	shalt  }
0x7a: {  	_ =	shalt  }
0x7b: {  	_ =	shalt  }
0x7c: {  	_ =	shalt  }
0x7d: {  	_ =	shalt  }
0x7e: {  	_ =	shalt  }
0x7f: {  	_ =	shalt  }
0x80: {  	_ =	shalt  }
0x81: {  	_ =	shalt  }
0x82: {  	_ =	shalt  }
0x83: {  	_ =	shalt  }
0x84: {  	_ =	shalt  }
0x85: {  	_ =	shalt  }
0x86: {  	_ =	shalt  }
0x87: {  	_ =	shalt  }
.Lfunc_end0:
.L_simem_size_0:
called_computation_lowered:
.L_overlay_start_0:
0x88: {  	s2 =	sld [smem:$0x3FD9]  }
0x89: {  	s3 =	sld [smem:$0x3FFE];
	_ =	sdelay $0x1  }
0x8a: {  	s1 =	srdreg.scid  }
0x8b: {  	s0 =	sand.u32 $0x1, s1  }
0x8c: {  	s17 =	sshll.u32 s0, $0xA;
	s2 =	sadd.s32 s3, s2  }
0x8d: {  	s2 =	sadd.s32 s2, s17  }
0x8e: {  	[smem:$0x3FC1] =	sst s2  }
0x8f: {  	_ = 	snop  }
0x90: {  	s2 =	sld [smem:$0x3FC9]  }
0x91: {  	s18 =	sld [smem:$0x3FC8]  }
0x92: {  	s4 =	sld [smem:$0x3FC7]  }
0x93: {  	s5 =	sld [smem:$0x3FC6]  }
0x94: {  	s6 =	sld [smem:$0x3FD0];
	(tm) =	ssettm $0x1  }
0x95: {  	s7 =	sld [smem:$0x3FFB];
	_ =	sdelay $0x3  }
0x96: {  	_ =	strace s7  }
0x97: {  	s7 =	sld [smem:$0x3FFC];
	_ =	sdelay $0x3  }
0x98: {  	_ =	strace s7  }
0x99: {  	s7 =	sld [smem:$0x3FFD];
	_ =	sdelay $0x3  }
0x9a: {  	_ =	strace s7  }
0x9b: {  	_ =	strace $0x8FFFFFFF  }
0x9c: {  	s19 =	sld [smem:$0x3FDB];
	_ =	sdelay $0x1  }
0x9d: {  	s8 =	simm.s32 $_scs_section_size  }
0x9e: {  	s9 =	simm.s32 $_size__tile_overlayer_lowered;
	s10 =	simm.s32 $_tile_overlayer_lowered  }
0x9f: {  	s22 =	simm.s32 $0x1BFF;
	s21 =	sshll.u32 s10, $0x1;
	s7 =	sadd.s32 s8, s19  }
0xa0: {  	s11 =	simm.s32 $0x0;
	s20 =	sshll.u32 s9, $0x1;
	s9 =	sadd.s32 s21, s7  }
0xa1: {  	[timem:s11], [sflag:s22] =	dma.local [hbm:s9], s20  }
0xa2: {  	_ =	swait.ge [sflag:s22], s20  }
0xa3: {  	s8 =	ssub.s32 $0x0, s20;
	[sflag:s22] =	ssyncset.done $0x0  }
0xa4: {  	[sflag:s22] =	ssyncadd.s32 s8;
	_ =	sdelay $0x1  }
0xa5: {  	s23 =	simm.s32 $0x1B8B  }
0xa6: {  	_ =	swait.ge [sflag:s23], $0x1  }
0xa7: {  	[sflag:s23] =	ssyncset.done $0x0  }
0xa8: {  	s25 =	simm.s32 $0x1B8E;
	s24 =	sld [smem:$0x3FFE];
	[sflag:s23] =	ssyncadd.s32 $0xFFFFFFFF  }
0xa9: {  	s26 =	simm.s32 $execute0_lowered;
	[smem:$0x3FD2] =	sst s25  }
0xaa: {  	s9 =	sshll.u32 s26, $0x1;
	_ =	strace $0x80000046;
	[dreg:$0x1] =	wrdreg $0xFFFFFFFF  }
0xab: {  	s28 =	simm.s32 $_size_execute0_lowered;
	s7 =	sadd.s32 s7, s9;
	[dreg:$0x0] =	wrdreg $0x0  }
0xac: {  	s9 =	sshll.u32 s28, $0x1;
	[dreg:$0x2] =	wrdreg s7  }
0xad: {  	[dreg:$0x3] =	wrdreg s9  }
0xae: {  	[dreg:$0x4] =	wrdreg $0xC0  }
0xaf: {  	_ =	task [dreg:s11], $0x5FFFF  }
0xb0: {  	[dreg:$0x1] =	wrdreg $0xFFFFFFFF  }
0xb1: {  	[dreg:$0x0] =	wrdreg $0x60  }
0xb2: {  	[dreg:$0x2] =	wrdreg s2  }
0xb3: {  	[dreg:$0x3] =	wrdreg s18  }
0xb4: {  	[dreg:$0x4] =	wrdreg s4  }
0xb5: {  	[dreg:$0x5] =	wrdreg s5  }
0xb6: {  	[dreg:$0x6] =	wrdreg s24  }
0xb7: {  	[dreg:$0x7] =	wrdreg s6  }
0xb8: {  	[dreg:$0x8] =	wrdreg $0x9  }
0xb9: {  	_ =	task.clear_ibuf [dreg:s11], $0x9FFFF;
	_ =	strace $0x90000046  }
0xba: {  	s29 =	simm.s32 $0x9;
	_ =	strace $0x80000048  }
0xbb: {  	_ =	swait.ge [sflag:s29], $0x1  }
0xbc: {  	[sflag:s29] =	ssyncadd.s32 $0xFFFFFFFF  }
0xbd: {  	_ =	strace $0x90000048  }
0xbe: {  	_ =	sfence  }
0xbf: {  	s30 =	sld [smem:$0x0];
	_ =	sdelay $0x2  }
0xc0: {  	s31 =	sshll.u32 s1, $0xD;
	s1 =	sshrl.u32 s1, $0x2  }
0xc1: {  	s3 =	sand.u32 $0x4000, s31;
	s1 =	sadd.s32 s1, s30  }
0xc2: {  	s0 =	sor.u32 s3, s0;
	s1 =	sshll.u32 s1, $0x11  }
0xc3: {  	s0 =	sor.u32 s1, s0  }
0xc4: {  	s0 =	sadd.s32 $0x8F2B, s0  }
0xc5: {  	[sflag:s0] =	ssyncadd.remote.s32 $0x1  }
0xc6: {  	_ =	sfence.sel $0xFFFF  }
0xc7: {  	[dreg:$0x0] =	wrdreg $0xFFFFFFFF;
	(pc) =	sbr.abs _section_cstart, $3  }
0xc8: {  	[dreg:$0x1] =	wrdreg $0xFFFFFFFF  }
0xc9: {  	_ =	task.clear_ibuf [dreg:s11], $0x2FFFF;
	_ =	strace $0x9FFFFFFF  }
0xca: {  	(tm) =	ssettm $0x7FFFFFFF  }
0xcb: {  	_ =	shalt  }
tec
execute0_lowered:
.L_overlay_start_1:
0x0: {  	(tag) =	ssettag $0x1  }
0x1: {  	s0 =	rddreg [dreg:$0x0]  }
0x2: {  	s5 =	rddreg [dreg:$0x1]  }
0x3: {  	s1 =	rddreg [dreg:$0x2]  }
0x4: {  	s2 =	rddreg [dreg:$0x3]  }
0x5: {  	s3 =	rddreg [dreg:$0x4]  }
0x6: {  	s7 =	rddreg [dreg:$0x5];
	s4 =	simm.s32 $0x0  }
0x7: {  	s6 =	srdreg.scid;
	s10 =	stileid.u32;
	s17 =	simm.s32 $0x200  }
0x8: {  	s18 =	simm.s32 $0x80;
	s19 =	simm.s32 $0x280;
	s20 =	simm.s32 $0x100  }
0x9: {  	s21 =	simm.s32 $0x300;
	s28 =	simm.s32 $0x4;
	s31 =	simm.s32 $0x2  }
0xa: {  	[smem:$0x7FF] =	sst s4;
	s6 =	sand.u32 $0x1, s6;
	s10 =	sshll.u32 s10, $0x7  }
0xb: {  	_ =	strace $0x80000047;
	s8 =	ssub.s32 $0x2, s6;
	s11 =	sshll.u32 s6, $0x6  }
0xc: {  	s6 =	sadd.s32 $0x1EA00, s3;
	s9 =	sshrl.u32 s8, $0x1;
	s22 =	sor.u32 s11, s10  }
0xd: {  	s11 =	simm.s32 $0x400;
	s8 =	ssub.s32 s8, s9;
	s10 =	sadd.s32 s0, s22  }
0xe: {  	s23 =	sadd.s32 s5, s22;
	s24 =	sor.u32 $0x10, s22;
	s26 =	sor.u32 $0x20, s22  }
0xf: {  	s30 =	sor.u32 $0x30, s22;
	s15 =	sadd.s32 s7, s22;
	[dreg:$0x7] =	wrdreg s10  }
0x10: {  	s22 =	simm.s32 $0x180;
	s7 =	simm.s32 $0x5;
	[dreg:$0x8] =	wrdreg s23  }
0x11: {  	s25 =	sadd.s32 s0, s24;
	s10 =	sadd.s32 s5, s24;
	s29 =	sadd.s32 s0, s26  }
0x12: {  	s12 =	sadd.s32 s5, s26;
	s13 =	sadd.s32 s0, s30;
	s14 =	sadd.s32 s5, s30  }
0x13: {  	s16 =	smax.u32 s8, $0x1;
	s23 =	simm.s32 $0x380;
	[dreg:$0x9] =	wrdreg s25  }
0x14: {  	s24 =	simm.s32 $0x1;
	s0 =	simm.s32 $0x10800;
	[dreg:$0xa] =	wrdreg s10  }
0x15: {  	s5 =	simm.s32 $0x3;
	s8 =	simm.s32 $0x0;
	[dreg:$0xb] =	wrdreg s29  }
.LBB2_1:
0x16: {  	s9 =	rddreg [dreg:$0x7]  }
0x17: {  	[tilespmem:s4], [sflag:$0x1] =	stream.linear.gather [hbm4b:s9+s4], $0x80, $0x38;
	[tilespmem:$0x10A00] =	vst v63  }
0x18: {  	s26 =	rddreg [dreg:$0x8]  }
0x19: {  	[tilespmem:s17], [sflag:$0x1] =	stream.linear.gather [hbm4b:s26+s4], $0x80, $0x38;
	[tilespmem:$0x10A00] =	vst v63  }
0x1a: {  	s29 =	rddreg [dreg:$0x9]  }
0x1b: {  	[tilespmem:s18], [sflag:$0x1] =	stream.linear.gather [hbm4b:s29+s4], $0x80, $0x38;
	[tilespmem:$0x10A00] =	vst v63  }
0x1c: {  	s30 =	rddreg [dreg:$0xa]  }
0x1d: {  	[tilespmem:s19], [sflag:$0x1] =	stream.linear.gather [hbm4b:s30+s4], $0x80, $0x38;
	[tilespmem:$0x10A00] =	vst v63  }
0x1e: {  	s10 =	rddreg [dreg:$0xb]  }
0x1f: {  	[tilespmem:s20], [sflag:$0x1] =	stream.linear.gather [hbm4b:s10+s4], $0x80, $0x38;
	[tilespmem:$0x10A00] =	vst v63  }
0x20: {  	_ = 	snop  }
0x21: {  	[tilespmem:s21], [sflag:$0x1] =	stream.linear.gather [hbm4b:s12+s4], $0x80, $0x38;
	[tilespmem:$0x10A00] =	vst v63  }
0x22: {  	_ = 	snop  }
0x23: {  	[tilespmem:s22], [sflag:$0x1] =	stream.linear.gather [hbm4b:s13+s4], $0x80, $0x38;
	[tilespmem:$0x10A00] =	vst v63  }
0x24: {  	_ = 	snop  }
0x25: {  	[tilespmem:s23], [sflag:$0x1] =	stream.linear.gather [hbm4b:s14+s4], $0x80, $0x38;
	[tilespmem:$0x10A00] =	vst v63  }
0x26: {  	_ =	swait.ge [sflag:s24], $0x80  }
0x27: {  	[sflag:s24] =	ssyncset.done $0x0  }
0x28: {  	[sflag:s24] =	ssyncadd.s32 $0xFFFFFF80  }
0x29: {  	_ =	swait.ge [sflag:s24], $0x80  }
0x2a: {  	[sflag:s24] =	ssyncset.done $0x0  }
0x2b: {  	[sflag:s24] =	ssyncadd.s32 $0xFFFFFF80  }
0x2c: {  	_ =	swait.ge [sflag:s24], $0x80  }
0x2d: {  	[sflag:s24] =	ssyncset.done $0x0  }
0x2e: {  	[sflag:s24] =	ssyncadd.s32 $0xFFFFFF80  }
0x2f: {  	_ =	swait.ge [sflag:s24], $0x80  }
0x30: {  	[sflag:s24] =	ssyncset.done $0x0  }
0x31: {  	[sflag:s24] =	ssyncadd.s32 $0xFFFFFF80  }
0x32: {  	_ =	swait.ge [sflag:s24], $0x80  }
0x33: {  	[sflag:s24] =	ssyncset.done $0x0  }
0x34: {  	[sflag:s24] =	ssyncadd.s32 $0xFFFFFF80  }
0x35: {  	_ =	swait.ge [sflag:s24], $0x80  }
0x36: {  	[sflag:s24] =	ssyncset.done $0x0  }
0x37: {  	[sflag:s24] =	ssyncadd.s32 $0xFFFFFF80  }
0x38: {  	_ =	swait.ge [sflag:s24], $0x80  }
0x39: {  	[sflag:s24] =	ssyncset.done $0x0  }
0x3a: {  	[sflag:s24] =	ssyncadd.s32 $0xFFFFFF80  }
0x3b: {  	_ =	swait.ge [sflag:s24], $0x80  }
0x3c: {  	[sflag:s24] =	ssyncset.done $0x0  }
0x3d: {  	s25 =	simm.s32 $0x10400;
	[sflag:s24] =	ssyncadd.s32 $0xFFFFFF80  }
0x3e: {  	[tilespmem:s25], [sflag:$0x4] =	stream.indirect.gather [hbm4b:s6+s18], $0x1, s4, s18, $0xb8;
	[tilespmem:$0x10A00] =	vst v63  }
0x3f: {  	s26 =	simm.s32 $0x10600  }
0x40: {  	[tilespmem:s26], [sflag:$0x4] =	stream.indirect.gather [hbm4b:s3+s18], $0x1, s17, s18, $0xb8;
	[tilespmem:$0x10A00] =	vst v63  }
0x41: {  	s29 =	simm.s32 $0x10480  }
0x42: {  	[tilespmem:s29], [sflag:$0x4] =	stream.indirect.gather [hbm4b:s6+s18], $0x1, s18, s18, $0xb8;
	[tilespmem:$0x10A00] =	vst v63  }
0x43: {  	s30 =	simm.s32 $0x10680  }
0x44: {  	[tilespmem:s30], [sflag:$0x4] =	stream.indirect.gather [hbm4b:s3+s18], $0x1, s19, s18, $0xb8;
	[tilespmem:$0x10A00] =	vst v63  }
0x45: {  	s10 =	simm.s32 $0x10500  }
0x46: {  	[tilespmem:s10], [sflag:$0x4] =	stream.indirect.gather [hbm4b:s6+s18], $0x1, s20, s18, $0xb8;
	[tilespmem:$0x10A00] =	vst v63  }
0x47: {  	s25 =	simm.s32 $0x10700  }
0x48: {  	[tilespmem:s25], [sflag:$0x4] =	stream.indirect.gather [hbm4b:s3+s18], $0x1, s21, s18, $0xb8;
	[tilespmem:$0x10A00] =	vst v63  }
0x49: {  	s26 =	simm.s32 $0x10580  }
0x4a: {  	[tilespmem:s26], [sflag:$0x4] =	stream.indirect.gather [hbm4b:s6+s18], $0x1, s22, s18, $0xb8;
	[tilespmem:$0x10A00] =	vst v63  }
0x4b: {  	s29 =	simm.s32 $0x10780  }
0x4c: {  	[tilespmem:s29], [sflag:$0x4] =	stream.indirect.gather [hbm4b:s3+s18], $0x1, s23, s18, $0xb8;
	[tilespmem:$0x10A00] =	vst v63  }
0x4d: {  	_ = 	snop  }
0x4e: {  	[tilespmem:s11], [sflag:$0x2] =	stream.indirect.gather [hbm4b:s1+s18], $0x80, s4, s18, $0xb8;
	[tilespmem:$0x10A00] =	vst v63  }
0x4f: {  	s30 =	simm.s32 $0x8400  }
0x50: {  	[tilespmem:s30], [sflag:$0x2] =	stream.indirect.gather [hbm4b:s2+s18], $0x80, s17, s18, $0xb8;
	[tilespmem:$0x10A00] =	vst v63  }
0x51: {  	_ =	swait.ge [sflag:s28], $0x80  }
0x52: {  	[sflag:s28] =	ssyncset.done $0x0  }
0x53: {  	[sflag:s28] =	ssyncadd.s32 $0xFFFFFF80  }
0x54: {  	_ =	swait.ge [sflag:s28], $0x80  }
0x55: {  	[sflag:s28] =	ssyncset.done $0x0  }
0x56: {  	[sflag:s28] =	ssyncadd.s32 $0xFFFFFF80  }
0x57: {  	_ =	swait.ge [sflag:s28], $0x80  }
0x58: {  	[sflag:s28] =	ssyncset.done $0x0  }
0x59: {  	[sflag:s28] =	ssyncadd.s32 $0xFFFFFF80  }
0x5a: {  	_ =	swait.ge [sflag:s28], $0x80  }
0x5b: {  	[sflag:s28] =	ssyncset.done $0x0  }
0x5c: {  	[sflag:s28] =	ssyncadd.s32 $0xFFFFFF80  }
0x5d: {  	_ =	swait.ge [sflag:s28], $0x80  }
0x5e: {  	[sflag:s28] =	ssyncset.done $0x0  }
0x5f: {  	[sflag:s28] =	ssyncadd.s32 $0xFFFFFF80  }
0x60: {  	_ =	swait.ge [sflag:s28], $0x80  }
0x61: {  	[sflag:s28] =	ssyncset.done $0x0  }
0x62: {  	[sflag:s28] =	ssyncadd.s32 $0xFFFFFF80  }
0x63: {  	_ =	swait.ge [sflag:s28], $0x80  }
0x64: {  	[sflag:s28] =	ssyncset.done $0x0  }
0x65: {  	[sflag:s28] =	ssyncadd.s32 $0xFFFFFF80  }
0x66: {  	_ =	swait.ge [sflag:s28], $0x80  }
0x67: {  	[sflag:s28] =	ssyncset.done $0x0  }
0x68: {  	s9 =	simm.s32 $0x0;
	[sflag:s28] =	ssyncadd.s32 $0xFFFFFF80  }
0x69: {  	v0 =	vld [tilespmem:s9+$0x10400]  }
0x6a: {  	s10 =	simm.s32 $0x40;
	v1 =	vld [tilespmem:s9+$0x10600]  }
.LBB2_2:
0x6b: {  	_ = 	snop  }
0x6c: {  	p0 =	sne.s32 s10, $0x7C0  }
.Ltmp0:
0x6d: {  	_ = 	snop;
	(pc) =	sbr.rel @p0 .LBB2_2-.Ltmp0, $4  }
0x6e: {  	_ = 	snop  }
0x6f: {  	s25 =	sshra.s32 s10, $0x2;
	v2 =	vadd.f32 v1, v0  }
0x70: {  	v0 =	vld [tilespmem:s25+$0x10400]  }
0x71: {  	s10 =	sadd.s32 $0x40, s10;
	v1 =	vld [tilespmem:s25+$0x10600];
	[tilespmem:s9+$0x10800] =	vst v2;
	s9 =	smov.u32 s25  }
0x72: {  	_ =	sdelay $0x3  }
0x73: {  	v0 =	vadd.f32 v1, v0;
	_ =	sdelay $0x1  }
0x74: {  	s10 =	simm.s32 $0x4400;
	[tilespmem:s9+$0x10800] =	vst v0  }
0x75: {  	[tilespmem:s10], [sflag:$0x3] =	stream.indirect.gather [hbm4b:s1+s18], $0x80, s18, s18, $0xb8;
	[tilespmem:$0x10A00] =	vst v63  }
0x76: {  	s25 =	simm.s32 $0xC400  }
0x77: {  	[tilespmem:s25], [sflag:$0x3] =	stream.indirect.gather [hbm4b:s2+s18], $0x80, s19, s18, $0xb8;
	[tilespmem:$0x10A00] =	vst v63  }
0x78: {  	_ =	swait.ge [sflag:s31], $0x4000  }
0x79: {  	[sflag:s31] =	ssyncset.done $0x0  }
0x7a: {  	[sflag:s31] =	ssyncadd.s32 $0xFFFFC000  }
0x7b: {  	_ =	swait.ge [sflag:s31], $0x4000  }
0x7c: {  	[sflag:s31] =	ssyncset.done $0x0  }
0x7d: {  	s26 =	simm.s32 $0x500;
	[sflag:s31] =	ssyncadd.s32 $0xFFFFC000  }
0x7e: {  	s10 =	simm.s32 $0x8500;
	v0 =	vld [tilespmem:s26+$0x80]  }
0x7f: {  	v1 =	vld [tilespmem:s10+$0x80]  }
0x80: {  	v2 =	vld [tilespmem:s26+$0x90]  }
0x81: {  	v3 =	vld [tilespmem:s10+$0x90]  }
0x82: {  	v4 =	vld [tilespmem:s26+$0xA0]  }
0x83: {  	v5 =	vld [tilespmem:s10+$0xA0]  }
0x84: {  	v6 =	vld [tilespmem:s26+$0xB0]  }
0x85: {  	v7 =	vld [tilespmem:s10+$0xB0]  }
0x86: {  	v8 =	vld [tilespmem:s26+$0xC0]  }
0x87: {  	v9 =	vld [tilespmem:s10+$0xC0]  }
0x88: {  	v10 =	vld [tilespmem:s26+$0xD0]  }
0x89: {  	v11 =	vld [tilespmem:s10+$0xD0]  }
0x8a: {  	v12 =	vld [tilespmem:s26+$0xE0]  }
0x8b: {  	v13 =	vld [tilespmem:s10+$0xE0]  }
0x8c: {  	v14 =	vld [tilespmem:s26+$0xF0]  }
0x8d: {  	v15 =	vld [tilespmem:s10+$0xF0]  }
0x8e: {  	v16 =	vld [tilespmem:s10+$0xFFFFFF00]  }
0x8f: {  	v17 =	vld [tilespmem:s26+$0xFFFFFF10]  }
0x90: {  	v18 =	vld [tilespmem:s10+$0xFFFFFF90]  }
0x91: {  	v19 =	vld [tilespmem:s26+$0xFFFFFFA0]  }
0x92: {  	v20 =	vld [tilespmem:s10+$0xFFFFFFA0]  }
0x93: {  	v21 =	vld [tilespmem:s26+$0xFFFFFFB0]  }
0x94: {  	v22 =	vld [tilespmem:s10+$0xFFFFFFB0]  }
0x95: {  	v23 =	vld [tilespmem:s26+$0xFFFFFFC0]  }
0x96: {  	v24 =	vld [tilespmem:s10+$0xFFFFFFC0]  }
0x97: {  	v25 =	vld [tilespmem:s26+$0xFFFFFFD0]  }
0x98: {  	v26 =	vld [tilespmem:s10+$0xFFFFFFD0]  }
0x99: {  	v27 =	vld [tilespmem:s26+$0xFFFFFFE0]  }
0x9a: {  	v28 =	vld [tilespmem:s10+$0xFFFFFFE0]  }
0x9b: {  	v29 =	vld [tilespmem:s26+$0xFFFFFFF0]  }
0x9c: {  	v30 =	vld [tilespmem:s10+$0xFFFFFFF0]  }
0x9d: {  	v31 =	vld [tilespmem:s26+$0x0]  }
0x9e: {  	v32 =	vld [tilespmem:s10+$0x0]  }
0x9f: {  	v33 =	vld [tilespmem:s26+$0x10]  }
0xa0: {  	v34 =	vld [tilespmem:s10+$0x10]  }
0xa1: {  	v35 =	vld [tilespmem:s26+$0x20]  }
0xa2: {  	v36 =	vld [tilespmem:s10+$0x20]  }
0xa3: {  	v50 =	vld [tilespmem:s26+$0x40]  }
0xa4: {  	v54 =	vld [tilespmem:s10+$0x40]  }
0xa5: {  	v56 =	vld [tilespmem:s10+$0x50]  }
0xa6: {  	v57 =	vld [tilespmem:s26+$0x60]  }
0xa7: {  	v58 =	vld [tilespmem:s10+$0x60]  }
0xa8: {  	v59 =	vld [tilespmem:s26+$0x70]  }
0xa9: {  	v60 =	vld [tilespmem:s10+$0x70]  }
0xaa: {  	v61 =	vld [tilespmem:s26+$0xFFFFFF00]  }
0xab: {  	v0 =	vmul.f32 v1, v0;
	v1 =	vmul.f32 v3, v2;
	v2 =	vld [tilespmem:s10+$0xFFFFFF10]  }
0xac: {  	v3 =	vmul.f32 v5, v4;
	v4 =	vmul.f32 v7, v6;
	v7 =	vld [tilespmem:s26+$0xFFFFFF20]  }
0xad: {  	v5 =	vmul.f32 v9, v8;
	v8 =	vld [tilespmem:s10+$0xFFFFFF20]  }
0xae: {  	v6 =	vmul.f32 v11, v10;
	v11 =	vld [tilespmem:s26+$0xFFFFFF30]  }
0xaf: {  	v9 =	vmul.f32 v13, v12;
	v12 =	vld [tilespmem:s10+$0xFFFFFF50]  }
0xb0: {  	v13 =	vld [tilespmem:s26+$0xFFFFFF70]  }
0xb1: {  	v10 =	vmul.f32 v15, v14;
	v14 =	vld [tilespmem:s10+$0xFFFFFF70]  }
0xb2: {  	v15 =	vld [tilespmem:s26+$0xFFFFFF90];
	v0 =	vadd.f32 v1, v0;
	v1 =	vadd.f32 v4, v3  }
0xb3: {  	s25 =	simm.s32 $0x3;
	v3 =	vld [tilespmem:s10+$0xFFFFFF30];
	v4 =	vadd.f32 v6, v5;
	v5 =	vadd.f32 v10, v9  }
0xb4: {  	v9 =	vld [tilespmem:s26+$0xFFFFFF40];
	v6 =	vmov s25  }
0xb5: {  	v10 =	vld [tilespmem:s10+$0xFFFFFF40];
	v0 =	vadd.f32 v1, v0;
	v1 =	vadd.f32 v5, v4  }
0xb6: {  	v4 =	vld [tilespmem:s26+$0xFFFFFF50]  }
0xb7: {  	s25 =	simm.s32 $0x8700;
	v5 =	vld [tilespmem:s26+$0xFFFFFF80];
	v0 =	vadd.f32 v1, v0  }
0xb8: {  	v2 =	vmul.f32 v2, v17;
	v17 =	vmul.f32 v8, v7;
	v8 =	vld [tilespmem:s25+$0x90]  }
0xb9: {  	[tilespmem:v6+s0+$0x0] =	vst.idx.add.f32.msk $0xffff, v0  }
0xba: {  	v6 =	vld [tilespmem:s10+$0xFFFFFF80]  }
0xbb: {  	v48 =	vmul.f32 v24, v23;
	v1 =	vld [tilespmem:s26+$0xFFFFFF60]  }
0xbc: {  	v49 =	vmul.f32 v26, v25;
	v16 =	vmul.f32 v16, v61;
	v0 =	vld [tilespmem:s10+$0xFFFFFF60]  }
0xbd: {  	v10 =	vmul.f32 v10, v9;
	v9 =	vld [tilespmem:s25+$0xA0];
	v12 =	vmul.f32 v12, v4  }
0xbe: {  	v51 =	vmul.f32 v28, v27;
	v52 =	vmul.f32 v30, v29;
	v2 =	vadd.f32 v2, v16;
	v16 =	vld [tilespmem:s25+$0xE0]  }
0xbf: {  	s30 =	simm.s32 $0x1;
	v62 =	vadd.f32 v12, v10;
	v10 =	vld [tilespmem:s25+$0xB0];
	v5 =	vmul.f32 v6, v5;
	v6 =	vmul.f32 v18, v15  }
0xc0: {  	v53 =	vmov s30;
	v12 =	vld [tilespmem:s25+$0xC0];
	v18 =	vmul.f32 v20, v19;
	v19 =	vmul.f32 v22, v21  }
0xc1: {  	v55 =	vadd.f32 v52, v51;
	v11 =	vmul.f32 v3, v11;
	v15 =	vld [tilespmem:s26+$0x30];
	v0 =	vmul.f32 v0, v1  }
0xc2: {  	v20 =	vld [tilespmem:s10+$0x30];
	v5 =	vadd.f32 v6, v5;
	v6 =	vadd.f32 v19, v18;
	v19 =	vand.u32 $0xFFFFFFFD, v53  }
0xc3: {  	v21 =	vadd.f32 v49, v48;
	v1 =	vmul.f32 v14, v13;
	v18 =	vld [tilespmem:s26+$0x50];
	s26 =	simm.s32 $0x700;
	v19 =	vbroadcast v19, $0x0  }
0xc4: {  	v13 =	vmul.f32 v32, v31;
	v14 =	vmul.f32 v34, v33;
	v7 =	vld [tilespmem:s26+$0x90]  }
0xc5: {  	v3 =	vld [tilespmem:s26+$0xA0];
	v5 =	vadd.f32 v6, v5;
	v6 =	vadd.f32 v55, v21  }
0xc6: {  	v17 =	vadd.f32 v11, v17;
	v63 =	vadd.f32 v14, v13;
	v4 =	vld [tilespmem:s26+$0xB0]  }
0xc7: {  	v14 =	vmul.f32 v60, v59;
	v11 =	vld [tilespmem:s26+$0xC0];
	v15 =	vmul.f32 v20, v15;
	v5 =	vadd.f32 v6, v5  }
0xc8: {  	v0 =	vadd.f32 v1, v0;
	v13 =	vld [tilespmem:s26+$0xD0];
	v20 =	vmul.f32 v54, v50;
	v1 =	vmul.f32 v56, v18  }
0xc9: {  	v18 =	vmul.f32 v58, v57;
	[tilespmem:v19+s0+$0x0] =	vst.idx.add.f32.msk $0xffff, v5;
	v19 =	vmul.f32 v36, v35  }
0xca: {  	v2 =	vadd.f32 v17, v2;
	v17 =	vld [tilespmem:s26+$0xF0];
	v1 =	vadd.f32 v1, v20  }
0xcb: {  	v6 =	vld [tilespmem:s25+$0x80];
	v18 =	vadd.f32 v14, v18;
	v15 =	vadd.f32 v15, v19  }
0xcc: {  	v5 =	vld [tilespmem:s26+$0x80];
	v19 =	vadd.f32 v0, v62  }
0xcd: {  	v14 =	vld [tilespmem:s25+$0xD0];
	v1 =	vadd.f32 v18, v1;
	v0 =	vadd.f32 v15, v63  }
0xce: {  	v18 =	vld [tilespmem:s25+$0xF0]  }
0xcf: {  	s29 =	simm.s32 $0x8;
	s9 =	simm.s32 $0x4;
	s10 =	simm.s32 $0x0;
	v15 =	vld [tilespmem:s26+$0xE0];
	v0 =	vadd.f32 v1, v0;
	v1 =	vadd.f32 v19, v2  }
.LBB2_4:
0xd0: {  	p0 =	slt.u32 s29, $0x7C;
	v2 =	vld [tilespmem:s25+$0xFFFFFF00]  }
0xd1: {  	v5 =	vmul.f32 v6, v5;
	v6 =	vmul.f32 v8, v7;
	v19 =	vld [tilespmem:s26+$0xFFFFFF10]  }
0xd2: {  	v3 =	vmul.f32 v9, v3;
	v4 =	vmul.f32 v10, v4;
	v7 =	vld [tilespmem:s25+$0xFFFFFF10]  }
0xd3: {  	v9 =	vmul.f32 v12, v11;
	v10 =	vmul.f32 v14, v13;
	v8 =	vld [tilespmem:s26+$0xFFFFFF20]  }
0xd4: {  	v12 =	vmul.f32 v16, v15;
	v11 =	vld [tilespmem:s25+$0xFFFFFF20];
	v13 =	vmul.f32 v18, v17  }
0xd5: {  	v5 =	vadd.f32 v6, v5;
	v4 =	vadd.f32 v4, v3;
	v14 =	vld [tilespmem:s26+$0xFFFFFF30]  }
0xd6: {  	s30 =	sadd.s32 $0x3, s9;
	v9 =	vadd.f32 v10, v9;
	v6 =	vld [tilespmem:s25+$0xFFFFFF30];
	v10 =	vadd.f32 v13, v12  }
0xd7: {  	v12 =	vmov s30;
	v3 =	vmul.f32 v7, v19;
	v7 =	vld [tilespmem:s26+$0xFFFFFF40]  }
0xd8: {  	v4 =	vadd.f32 v4, v5;
	v13 =	vld [tilespmem:s25+$0xFFFFFF40];
	v5 =	vadd.f32 v10, v9  }
0xd9: {  	v8 =	vmul.f32 v11, v8;
	v9 =	vld [tilespmem:s26+$0xFFFFFF50]  }
0xda: {  	v10 =	vld [tilespmem:s25+$0xFFFFFF50];
	v4 =	vadd.f32 v5, v4  }
0xdb: {  	v5 =	vmul.f32 v6, v14;
	v6 =	vld [tilespmem:s26+$0xFFFFFF60]  }
0xdc: {  	[tilespmem:v12+s0+$0x0] =	vst.idx.add.f32.msk $0xffff, v4  }
0xdd: {  	v7 =	vmul.f32 v13, v7;
	v11 =	vld [tilespmem:s25+$0xFFFFFF60];
	v4 =	vadd.f32 v5, v8  }
0xde: {  	v5 =	vld [tilespmem:s26+$0xFFFFFF70]  }
0xdf: {  	v8 =	vmul.f32 v10, v9;
	v9 =	vld [tilespmem:s25+$0xFFFFFF70]  }
0xe0: {  	v10 =	vld [tilespmem:s26+$0xFFFFFF80]  }
0xe1: {  	v7 =	vadd.f32 v8, v7;
	v8 =	vld [tilespmem:s25+$0xFFFFFF80]  }
0xe2: {  	v6 =	vmul.f32 v11, v6;
	v11 =	vld [tilespmem:s26+$0xFFFFFF90]  }
0xe3: {  	v12 =	vld [tilespmem:s25+$0xFFFFFF90]  }
0xe4: {  	v5 =	vmul.f32 v9, v5;
	v9 =	vld [tilespmem:s26+$0xFFFFFFA0]  }
0xe5: {  	v13 =	vld [tilespmem:s25+$0xFFFFFFA0]  }
0xe6: {  	v5 =	vadd.f32 v5, v6;
	v6 =	vmul.f32 v8, v10;
	v8 =	vld [tilespmem:s26+$0xFFFFFFB0]  }
0xe7: {  	v10 =	vld [tilespmem:s25+$0xFFFFFFB0]  }
0xe8: {  	v14 =	vadd.f32 v5, v7;
	v5 =	vmul.f32 v12, v11;
	v7 =	vld [tilespmem:s26+$0xFFFFFFC0]  }
0xe9: {  	v11 =	vld [tilespmem:s25+$0xFFFFFFC0]  }
0xea: {  	v9 =	vmul.f32 v13, v9;
	v12 =	vld [tilespmem:s26+$0xFFFFFFD0];
	v5 =	vadd.f32 v5, v6  }
0xeb: {  	v6 =	vld [tilespmem:s25+$0xFFFFFFD0]  }
0xec: {  	v8 =	vmul.f32 v10, v8;
	v10 =	vld [tilespmem:s26+$0xFFFFFFE0]  }
0xed: {  	v13 =	vld [tilespmem:s25+$0xFFFFFFE0]  }
0xee: {  	v7 =	vmul.f32 v11, v7;
	v11 =	vld [tilespmem:s26+$0xFFFFFFF0];
	v8 =	vadd.f32 v8, v9  }
0xef: {  	v9 =	vld [tilespmem:s25+$0xFFFFFFF0]  }
0xf0: {  	v6 =	vmul.f32 v6, v12;
	v5 =	vadd.f32 v8, v5;
	v8 =	vld [tilespmem:s26+$0x0]  }
0xf1: {  	v12 =	vld [tilespmem:s25+$0x0]  }
0xf2: {  	v10 =	vmul.f32 v13, v10;
	v6 =	vadd.f32 v6, v7;
	v7 =	vld [tilespmem:s26+$0x10]  }
0xf3: {  	v13 =	vld [tilespmem:s25+$0x10]  }
0xf4: {  	v9 =	vmul.f32 v9, v11;
	v11 =	vld [tilespmem:s26+$0x20]  }
0xf5: {  	v15 =	vld [tilespmem:s25+$0x20]  }
0xf6: {  	v9 =	vadd.f32 v9, v10;
	v8 =	vmul.f32 v12, v8;
	v10 =	vld [tilespmem:s26+$0x30]  }
0xf7: {  	v12 =	vld [tilespmem:s25+$0x30]  }
0xf8: {  	s30 =	sadd.s32 $0x1, s9;
	v6 =	vadd.f32 v9, v6;
	v7 =	vmul.f32 v13, v7;
	v9 =	vld [tilespmem:s26+$0x40];
	v13 =	vmov s10  }
0xf9: {  	v16 =	vmov s30;
	v17 =	vld [tilespmem:s25+$0x40];
	v13 =	vand.u32 $0xFFFFFFFC, v13  }
0xfa: {  	s30 =	sadd.s32 $0x2, s10;
	s10 =	smov.u32 s9;
	s9 =	smov.u32 s29;
	v5 =	vadd.f32 v6, v5;
	v6 =	vmul.f32 v15, v11;
	v11 =	vld [tilespmem:s26+$0x50];
	v7 =	vadd.f32 v7, v8  }
0xfb: {  	v8 =	vand.u32 $0xFFFFFFFD, v16;
	v13 =	vbroadcast v13, $0x0;
	v16 =	vmov s30;
	v15 =	vld [tilespmem:s25+$0x50]  }
0xfc: {  	v8 =	vbroadcast v8, $0x0;
	v16 =	vand.u32 $0xFFFFFFFE, v16;
	v10 =	vmul.f32 v12, v10;
	v12 =	vld [tilespmem:s26+$0x60]  }
0xfd: {  	v16 =	vbroadcast v16, $0x0;
	v18 =	vld [tilespmem:s25+$0x60]  }
0xfe: {  	v9 =	vmul.f32 v17, v9;
	v17 =	vld [tilespmem:s26+$0x70];
	v6 =	vadd.f32 v10, v6  }
0xff: {  	v10 =	vld [tilespmem:s25+$0x70]  }
0x100: {  	v19 =	vld [tilespmem:s26+$0xFFFFFF00];
	v11 =	vmul.f32 v15, v11;
	v15 =	vadd.f32 v6, v7  }
0x101: {  	[tilespmem:v13+s0+$0x0] =	vst.idx.add.f32.msk $0xffff, v1  }
0x102: {  	[tilespmem:v8+s0+$0x0] =	vst.idx.add.f32.msk $0xffff, v5;
	v1 =	vmul.f32 v18, v12;
	v9 =	vadd.f32 v11, v9  }
0x103: {  	s26 =	sadd.s32 $0x200, s26;
	[tilespmem:v16+s0+$0x0] =	vst.idx.add.f32.msk $0xffff, v0  }
0x104: {  	s25 =	sadd.s32 $0x200, s25;
	v5 =	vld [tilespmem:s26+$0x80];
	v0 =	vmul.f32 v10, v17  }
0x105: {  	v6 =	vld [tilespmem:s25+$0x80];
	v2 =	vmul.f32 v2, v19  }
0x106: {  	v7 =	vld [tilespmem:s26+$0x90];
	v0 =	vadd.f32 v0, v1  }
0x107: {  	v8 =	vld [tilespmem:s25+$0x90];
	v1 =	vadd.f32 v3, v2  }
0x108: {  	v3 =	vld [tilespmem:s26+$0xA0];
	v0 =	vadd.f32 v0, v9  }
0x109: {  	v9 =	vld [tilespmem:s25+$0xA0];
	v1 =	vadd.f32 v4, v1  }
0x10a: {  	v4 =	vld [tilespmem:s26+$0xB0];
	v0 =	vadd.f32 v0, v15  }
0x10b: {  	v10 =	vld [tilespmem:s25+$0xB0];
	v1 =	vadd.f32 v14, v1  }
0x10c: {  	v11 =	vld [tilespmem:s26+$0xC0]  }
0x10d: {  	v12 =	vld [tilespmem:s25+$0xC0]  }
0x10e: {  	v13 =	vld [tilespmem:s26+$0xD0]  }
.Ltmp1:
0x10f: {  	v14 =	vld [tilespmem:s25+$0xD0];
	(pc) =	sbr.rel @p0 .LBB2_4-.Ltmp1, $4  }
0x110: {  	v15 =	vld [tilespmem:s26+$0xE0]  }
0x111: {  	v16 =	vld [tilespmem:s25+$0xE0]  }
0x112: {  	v17 =	vld [tilespmem:s26+$0xF0]  }
0x113: {  	s29 =	sadd.s32 $0x4, s29;
	v18 =	vld [tilespmem:s25+$0xF0]  }
0x114: {  	v2 =	vld [tilespmem:s25+$0xFFFFFF00]  }
0x115: {  	v19 =	vld [tilespmem:s26+$0xFFFFFF10]  }
0x116: {  	v20 =	vld [tilespmem:s25+$0xFFFFFF10]  }
0x117: {  	v21 =	vld [tilespmem:s26+$0xFFFFFF20]  }
0x118: {  	v22 =	vld [tilespmem:s25+$0xFFFFFF20]  }
0x119: {  	v23 =	vld [tilespmem:s26+$0xFFFFFF30]  }
0x11a: {  	v24 =	vld [tilespmem:s25+$0xFFFFFF30]  }
0x11b: {  	v25 =	vld [tilespmem:s26+$0xFFFFFF40]  }
0x11c: {  	v26 =	vld [tilespmem:s25+$0xFFFFFF40]  }
0x11d: {  	v27 =	vld [tilespmem:s26+$0xFFFFFF50]  }
0x11e: {  	v28 =	vld [tilespmem:s25+$0xFFFFFF50]  }
0x11f: {  	v29 =	vld [tilespmem:s26+$0xFFFFFF60]  }
0x120: {  	v30 =	vld [tilespmem:s25+$0xFFFFFF60]  }
0x121: {  	v31 =	vld [tilespmem:s26+$0xFFFFFF70]  }
0x122: {  	v32 =	vld [tilespmem:s25+$0xFFFFFF70]  }
0x123: {  	v33 =	vld [tilespmem:s26+$0xFFFFFF80]  }
0x124: {  	v34 =	vld [tilespmem:s25+$0xFFFFFF80]  }
0x125: {  	v35 =	vld [tilespmem:s26+$0xFFFFFF90]  }
0x126: {  	v36 =	vld [tilespmem:s25+$0xFFFFFF90]  }
0x127: {  	v37 =	vld [tilespmem:s26+$0xFFFFFFA0]  }
0x128: {  	v38 =	vld [tilespmem:s25+$0xFFFFFFA0]  }
0x129: {  	v39 =	vld [tilespmem:s26+$0xFFFFFFB0]  }
0x12a: {  	v40 =	vld [tilespmem:s25+$0xFFFFFFB0]  }
0x12b: {  	v41 =	vld [tilespmem:s26+$0xFFFFFFC0]  }
0x12c: {  	v42 =	vld [tilespmem:s25+$0xFFFFFFC0]  }
0x12d: {  	v43 =	vld [tilespmem:s26+$0xFFFFFFD0]  }
0x12e: {  	v44 =	vld [tilespmem:s25+$0xFFFFFFD0]  }
0x12f: {  	v45 =	vld [tilespmem:s26+$0xFFFFFFE0]  }
0x130: {  	v46 =	vld [tilespmem:s25+$0xFFFFFFE0]  }
0x131: {  	v5 =	vmul.f32 v6, v5;
	v6 =	vmul.f32 v8, v7;
	v7 =	vld [tilespmem:s26+$0xFFFFFFF0]  }
0x132: {  	v3 =	vmul.f32 v9, v3;
	v4 =	vmul.f32 v10, v4;
	v8 =	vld [tilespmem:s25+$0xFFFFFFF0]  }
0x133: {  	v9 =	vmul.f32 v12, v11;
	v11 =	vld [tilespmem:s26+$0x0]  }
0x134: {  	v58 =	vld [tilespmem:s25+$0x0];
	v5 =	vadd.f32 v6, v5;
	v3 =	vadd.f32 v4, v3  }
0x135: {  	v10 =	vmul.f32 v14, v13;
	v60 =	vld [tilespmem:s26+$0x20];
	v56 =	vmul.f32 v16, v15  }
0x136: {  	v62 =	vld [tilespmem:s25+$0x20];
	v57 =	vmul.f32 v18, v17;
	v3 =	vadd.f32 v3, v5;
	v5 =	vmul.f32 v22, v21  }
0x137: {  	v47 =	vld [tilespmem:s26+$0xFFFFFF00];
	v59 =	vmul.f32 v24, v23;
	v61 =	vmul.f32 v28, v27  }
0x138: {  	v4 =	vld [tilespmem:s26+$0x10];
	v63 =	vmul.f32 v30, v29;
	v30 =	vmul.f32 v32, v31  }
0x139: {  	v6 =	vadd.f32 v10, v9;
	v10 =	vld [tilespmem:s25+$0x10];
	v32 =	vmul.f32 v36, v35;
	v35 =	vmul.f32 v40, v39  }
0x13a: {  	v49 =	vld [tilespmem:s25+$0x70];
	v51 =	vmov s9;
	v40 =	vmul.f32 v46, v45;
	v7 =	vmul.f32 v8, v7  }
0x13b: {  	v31 =	vld [tilespmem:s26+$0x30];
	v19 =	vmul.f32 v20, v19;
	v11 =	vmul.f32 v58, v11;
	v45 =	vmov s10  }
0x13c: {  	v36 =	vld [tilespmem:s26+$0x40];
	v13 =	vmul.f32 v62, v60;
	v2 =	vmul.f32 v2, v47;
	v9 =	vadd.f32 v57, v56  }
0x13d: {  	v39 =	vld [tilespmem:s25+$0x40];
	v14 =	vand.u32 $0xFFFFFFFC, v45;
	v5 =	vadd.f32 v59, v5;
	v17 =	vadd.f32 v30, v63  }
0x13e: {  	s30 =	sadd.s32 $0x1, s9;
	v8 =	vld [tilespmem:s26+$0x50];
	v7 =	vadd.f32 v7, v40;
	v4 =	vmul.f32 v10, v4;
	v6 =	vadd.f32 v9, v6  }
0x13f: {  	v46 =	vld [tilespmem:s26+$0x70];
	v10 =	vmov s30;
	v14 =	vbroadcast v14, $0x0;
	v2 =	vadd.f32 v19, v2  }
0x140: {  	s30 =	sadd.s32 $0x2, s10;
	v9 =	vmul.f32 v26, v25;
	v3 =	vadd.f32 v6, v3;
	v6 =	vmul.f32 v34, v33;
	v33 =	vld [tilespmem:s25+$0x30]  }
0x141: {  	s10 =	sadd.s32 $0x2, s9;
	v48 =	vmov s30;
	v34 =	vmul.f32 v38, v37;
	v37 =	vmul.f32 v42, v41;
	v41 =	vld [tilespmem:s25+$0x50]  }
0x142: {  	v10 =	vand.u32 $0xFFFFFFFD, v10;
	v52 =	vmov s10;
	v16 =	vand.u32 $0xFFFFFFFE, v48;
	v42 =	vld [tilespmem:s26+$0x60]  }
0x143: {  	s29 =	sadd.s32 $0x3, s9;
	v4 =	vadd.f32 v4, v11;
	v10 =	vbroadcast v10, $0x0;
	v38 =	vmul.f32 v44, v43;
	v44 =	vld [tilespmem:s25+$0x60]  }
0x144: {  	v9 =	vadd.f32 v61, v9;
	v43 =	vmov s29;
	v11 =	vbroadcast v16, $0x0  }
0x145: {  	v50 =	vmul.f32 v39, v36;
	v6 =	vadd.f32 v32, v6;
	v15 =	vadd.f32 v38, v37  }
0x146: {  	v12 =	vadd.f32 v35, v34;
	v9 =	vadd.f32 v17, v9;
	v17 =	vand.u32 $0xFFFFFFFC, v51  }
0x147: {  	v7 =	vadd.f32 v7, v15;
	v15 =	vmul.f32 v49, v46;
	v21 =	vmul.f32 v33, v31  }
0x148: {  	v6 =	vadd.f32 v12, v6;
	v8 =	vmul.f32 v41, v8;
	v12 =	vmul.f32 v44, v42  }
0x149: {  	v18 =	vand.u32 $0xFFFFFFFE, v52;
	v17 =	vbroadcast v17, $0x0;
	v13 =	vadd.f32 v21, v13  }
0x14a: {  	v53 =	vbroadcast v18, $0x0;
	v8 =	vadd.f32 v8, v50;
	v12 =	vadd.f32 v15, v12  }
0x14b: {  	v2 =	vadd.f32 v5, v2;
	[tilespmem:v43+s0+$0x0] =	vst.idx.add.f32.msk $0xffff, v3;
	v3 =	vadd.f32 v7, v6  }
0x14c: {  	[tilespmem:v14+s0+$0x0] =	vst.idx.add.f32.msk $0xffff, v1;
	v4 =	vadd.f32 v13, v4;
	v1 =	vadd.f32 v12, v8  }
0x14d: {  	v2 =	vadd.f32 v9, v2;
	[tilespmem:v11+s0+$0x0] =	vst.idx.add.f32.msk $0xffff, v0  }
0x14e: {  	[tilespmem:v10+s0+$0x0] =	vst.idx.add.f32.msk $0xffff, v3;
	v0 =	vadd.f32 v1, v4  }
0x14f: {  	[tilespmem:v17+s0+$0x0] =	vst.idx.add.f32.msk $0xffff, v2  }
0x150: {  	[tilespmem:v53+s0+$0x0] =	vst.idx.add.f32.msk $0xffff, v0  }
0x151: {  	[tilespmem:s11], [sflag:$0x2] =	stream.indirect.gather [hbm4b:s1+s18], $0x80, s20, s18, $0xb8;
	[tilespmem:$0x10A00] =	vst v63  }
0x152: {  	s25 =	simm.s32 $0x8400  }
0x153: {  	[tilespmem:s25], [sflag:$0x2] =	stream.indirect.gather [hbm4b:s2+s18], $0x80, s21, s18, $0xb8;
	[tilespmem:$0x10A00] =	vst v63  }
0x154: {  	_ =	swait.ge [sflag:s5], $0x4000  }
0x155: {  	[sflag:s5] =	ssyncset.done $0x0  }
0x156: {  	[sflag:s5] =	ssyncadd.s32 $0xFFFFC000  }
0x157: {  	_ =	swait.ge [sflag:s5], $0x4000  }
0x158: {  	[sflag:s5] =	ssyncset.done $0x0  }
0x159: {  	s26 =	simm.s32 $0x4500;
	[sflag:s5] =	ssyncadd.s32 $0xFFFFC000  }
0x15a: {  	s25 =	simm.s32 $0xC500;
	v0 =	vld [tilespmem:s26+$0x80]  }
0x15b: {  	v1 =	vld [tilespmem:s25+$0x80]  }
0x15c: {  	v2 =	vld [tilespmem:s26+$0x90]  }
0x15d: {  	v3 =	vld [tilespmem:s25+$0x90]  }
0x15e: {  	v4 =	vld [tilespmem:s26+$0xA0]  }
0x15f: {  	v5 =	vld [tilespmem:s25+$0xA0]  }
0x160: {  	v6 =	vld [tilespmem:s26+$0xB0]  }
0x161: {  	v7 =	vld [tilespmem:s25+$0xB0]  }
0x162: {  	v8 =	vld [tilespmem:s26+$0xC0]  }
0x163: {  	v9 =	vld [tilespmem:s25+$0xC0]  }
0x164: {  	v10 =	vld [tilespmem:s26+$0xD0]  }
0x165: {  	v11 =	vld [tilespmem:s25+$0xD0]  }
0x166: {  	v54 =	vld [tilespmem:s26+$0xE0]  }
0x167: {  	v55 =	vld [tilespmem:s25+$0xE0]  }
0x168: {  	v56 =	vld [tilespmem:s26+$0xF0]  }
0x169: {  	v57 =	vld [tilespmem:s25+$0xF0]  }
0x16a: {  	v16 =	vld [tilespmem:s26+$0xFFFFFF10]  }
0x16b: {  	v58 =	vld [tilespmem:s26+$0xFFFFFF70]  }
0x16c: {  	v59 =	vld [tilespmem:s25+$0xFFFFFF70]  }
0x16d: {  	v60 =	vld [tilespmem:s26+$0xFFFFFF80]  }
0x16e: {  	v61 =	vld [tilespmem:s25+$0xFFFFFF80]  }
0x16f: {  	v62 =	vld [tilespmem:s26+$0xFFFFFF90]  }
0x170: {  	v63 =	vld [tilespmem:s25+$0xFFFFFF90]  }
0x171: {  	v36 =	vld [tilespmem:s26+$0xFFFFFFA0]  }
0x172: {  	v37 =	vld [tilespmem:s25+$0xFFFFFFA0]  }
0x173: {  	v38 =	vld [tilespmem:s26+$0xFFFFFFB0]  }
0x174: {  	v39 =	vld [tilespmem:s25+$0xFFFFFFB0]  }
0x175: {  	v40 =	vld [tilespmem:s26+$0xFFFFFFC0]  }
0x176: {  	v41 =	vld [tilespmem:s25+$0xFFFFFFC0]  }
0x177: {  	v42 =	vld [tilespmem:s26+$0xFFFFFFD0]  }
0x178: {  	v43 =	vld [tilespmem:s25+$0xFFFFFFD0]  }
0x179: {  	v44 =	vld [tilespmem:s26+$0xFFFFFFE0]  }
0x17a: {  	v45 =	vld [tilespmem:s25+$0xFFFFFFE0]  }
0x17b: {  	v46 =	vld [tilespmem:s26+$0xFFFFFFF0]  }
0x17c: {  	v47 =	vld [tilespmem:s25+$0xFFFFFFF0]  }
0x17d: {  	v48 =	vld [tilespmem:s26+$0x0]  }
0x17e: {  	v49 =	vld [tilespmem:s25+$0x0]  }
0x17f: {  	v50 =	vld [tilespmem:s26+$0x10]  }
0x180: {  	v51 =	vld [tilespmem:s25+$0x10]  }
0x181: {  	v52 =	vld [tilespmem:s25+$0x30]  }
0x182: {  	v0 =	vmul.f32 v1, v0;
	v1 =	vmul.f32 v3, v2;
	v2 =	vld [tilespmem:s25+$0xFFFFFF10]  }
0x183: {  	v3 =	vmul.f32 v5, v4;
	v5 =	vld [tilespmem:s26+$0xFFFFFF20]  }
0x184: {  	v4 =	vmul.f32 v7, v6;
	v6 =	vmul.f32 v9, v8;
	v8 =	vld [tilespmem:s25+$0xFFFFFF20]  }
0x185: {  	v7 =	vmul.f32 v11, v10;
	v11 =	vld [tilespmem:s26+$0xFFFFFF30]  }
0x186: {  	v9 =	vmul.f32 v55, v54;
	v10 =	vmul.f32 v57, v56;
	v54 =	vld [tilespmem:s25+$0x40];
	v0 =	vadd.f32 v1, v0  }
0x187: {  	v1 =	vadd.f32 v4, v3;
	v4 =	vadd.f32 v7, v6;
	v7 =	vld [tilespmem:s26+$0xFFFFFF40]  }
0x188: {  	s29 =	simm.s32 $0x83;
	v6 =	vadd.f32 v10, v9;
	v10 =	vld [tilespmem:s25+$0xFFFFFF40]  }
0x189: {  	v3 =	vld [tilespmem:s25+$0xFFFFFF30];
	v9 =	vmov s29  }
0x18a: {  	v0 =	vadd.f32 v1, v0;
	v1 =	vadd.f32 v6, v4;
	v4 =	vld [tilespmem:s26+$0xFFFFFF50]  }
0x18b: {  	v6 =	vld [tilespmem:s25+$0xFFFFFF50]  }
0x18c: {  	v0 =	vadd.f32 v1, v0;
	v1 =	vld [tilespmem:s26+$0xFFFFFF60]  }
0x18d: {  	v7 =	vmul.f32 v10, v7;
	v10 =	vld [tilespmem:s26+$0x30]  }
0x18e: {  	s30 =	simm.s32 $0x81;
	v53 =	vmul.f32 v41, v40;
	[tilespmem:v9+s0+$0x0] =	vst.idx.add.f32.msk $0xffff, v0  }
0x18f: {  	v57 =	vmov s30;
	v3 =	vmul.f32 v3, v11;
	v9 =	vld [tilespmem:s25+$0xFFFFFF60];
	v0 =	vmul.f32 v8, v5  }
0x190: {  	v55 =	vmul.f32 v45, v44;
	v18 =	vand.u32 $0xFFFFFFFD, v57;
	v5 =	vld [tilespmem:s26+$0x20];
	v4 =	vmul.f32 v6, v4  }
0x191: {  	v8 =	vmul.f32 v63, v62;
	v6 =	vld [tilespmem:s25+$0x20];
	v0 =	vadd.f32 v3, v0;
	v3 =	vmul.f32 v61, v60  }
0x192: {  	v62 =	vld [tilespmem:s26+$0x60];
	v11 =	vadd.f32 v4, v7;
	v4 =	vmul.f32 v37, v36;
	v7 =	vmul.f32 v39, v38  }
0x193: {  	v56 =	vmul.f32 v47, v46;
	v18 =	vbroadcast v18, $0x0;
	v60 =	vld [tilespmem:s25+$0x50]  }
0x194: {  	v3 =	vadd.f32 v8, v3;
	v8 =	vld [tilespmem:s26+$0x40];
	v4 =	vadd.f32 v7, v4;
	v7 =	vmul.f32 v43, v42  }
0x195: {  	v15 =	vadd.f32 v56, v55;
	v1 =	vmul.f32 v9, v1;
	v9 =	vmul.f32 v59, v58;
	v58 =	vld [tilespmem:s26+$0x50]  }
0x196: {  	v5 =	vmul.f32 v6, v5;
	v6 =	vmul.f32 v52, v10;
	v10 =	vld [tilespmem:s25+$0x60];
	v7 =	vadd.f32 v7, v53  }
0x197: {  	v61 =	vmul.f32 v51, v50;
	v59 =	vmul.f32 v49, v48;
	v9 =	vadd.f32 v9, v1;
	v1 =	vld [tilespmem:s25+$0xFFFFFF00]  }
0x198: {  	v3 =	vadd.f32 v4, v3;
	v4 =	vadd.f32 v15, v7;
	v7 =	vld [tilespmem:s26+$0x70]  }
0x199: {  	v12 =	vadd.f32 v61, v59;
	v13 =	vmul.f32 v54, v8;
	v8 =	vld [tilespmem:s25+$0x70]  }
0x19a: {  	v6 =	vadd.f32 v6, v5;
	v5 =	vadd.f32 v9, v11;
	v9 =	vld [tilespmem:s26+$0xFFFFFF00]  }
0x19b: {  	v63 =	vmul.f32 v60, v58;
	v3 =	vadd.f32 v4, v3  }
0x19c: {  	v6 =	vadd.f32 v6, v12;
	v4 =	vmul.f32 v2, v16  }
0x19d: {  	s9 =	simm.s32 $0xFFFFFFFC;
	s10 =	simm.s32 $0x0;
	s26 =	simm.s32 $0x4700;
	v10 =	vmul.f32 v10, v62;
	[tilespmem:v18+s0+$0x0] =	vst.idx.add.f32.msk $0xffff, v3;
	v3 =	vadd.f32 v63, v13  }
.LBB2_6:
0x19e: {  	v11 =	vld [tilespmem:s26+$0x80];
	v2 =	vmul.f32 v8, v7;
	s25 =	sadd.s32 $0x200, s25;
	s29 =	smov.u32 s10  }
0x19f: {  	v7 =	vld [tilespmem:s25+$0x80];
	v1 =	vmul.f32 v1, v9  }
0x1a0: {  	v8 =	vld [tilespmem:s26+$0x90];
	v2 =	vadd.f32 v2, v10  }
0x1a1: {  	v9 =	vld [tilespmem:s25+$0x90];
	v1 =	vadd.f32 v4, v1  }
0x1a2: {  	v4 =	vld [tilespmem:s26+$0xA0];
	v2 =	vadd.f32 v2, v3  }
0x1a3: {  	v10 =	vld [tilespmem:s25+$0xA0];
	v0 =	vadd.f32 v0, v1  }
0x1a4: {  	v12 =	vld [tilespmem:s26+$0xB0];
	v2 =	vadd.f32 v2, v6  }
0x1a5: {  	v6 =	vld [tilespmem:s25+$0xB0];
	v3 =	vadd.f32 v5, v0  }
0x1a6: {  	v0 =	vld [tilespmem:s26+$0xC0]  }
0x1a7: {  	v5 =	vld [tilespmem:s25+$0xC0]  }
0x1a8: {  	v13 =	vld [tilespmem:s26+$0xD0]  }
0x1a9: {  	v14 =	vld [tilespmem:s25+$0xD0]  }
0x1aa: {  	v15 =	vld [tilespmem:s26+$0xE0]  }
0x1ab: {  	v16 =	vld [tilespmem:s25+$0xE0]  }
0x1ac: {  	v17 =	vld [tilespmem:s26+$0xF0]  }
0x1ad: {  	s10 =	sadd.s32 $0x4, s10;
	v18 =	vld [tilespmem:s25+$0xF0]  }
0x1ae: {  	p0 =	slt.u32 s10, $0x7C;
	v1 =	vld [tilespmem:s25+$0xFFFFFF00]  }
0x1af: {  	v7 =	vmul.f32 v7, v11;
	v8 =	vmul.f32 v9, v8;
	v19 =	vld [tilespmem:s26+$0xFFFFFF10]  }
0x1b0: {  	v4 =	vmul.f32 v10, v4;
	v6 =	vmul.f32 v6, v12;
	v9 =	vld [tilespmem:s25+$0xFFFFFF10]  }
0x1b1: {  	v0 =	vmul.f32 v5, v0;
	v5 =	vmul.f32 v14, v13;
	v10 =	vld [tilespmem:s26+$0xFFFFFF20]  }
0x1b2: {  	v12 =	vmul.f32 v16, v15;
	v11 =	vld [tilespmem:s25+$0xFFFFFF20];
	v13 =	vmul.f32 v18, v17  }
0x1b3: {  	v7 =	vadd.f32 v8, v7;
	v6 =	vadd.f32 v6, v4;
	v14 =	vld [tilespmem:s26+$0xFFFFFF30]  }
0x1b4: {  	s30 =	sadd.s32 $0x87, s29;
	v0 =	vadd.f32 v5, v0;
	v8 =	vld [tilespmem:s25+$0xFFFFFF30];
	v5 =	vadd.f32 v13, v12  }
0x1b5: {  	v12 =	vmov s30;
	v4 =	vmul.f32 v9, v19;
	v9 =	vld [tilespmem:s26+$0xFFFFFF40]  }
0x1b6: {  	v6 =	vadd.f32 v6, v7;
	v13 =	vld [tilespmem:s25+$0xFFFFFF40];
	v0 =	vadd.f32 v5, v0  }
0x1b7: {  	v5 =	vmul.f32 v11, v10;
	v7 =	vld [tilespmem:s26+$0xFFFFFF50]  }
0x1b8: {  	v10 =	vld [tilespmem:s25+$0xFFFFFF50];
	v0 =	vadd.f32 v0, v6  }
0x1b9: {  	v6 =	vmul.f32 v8, v14;
	v8 =	vld [tilespmem:s26+$0xFFFFFF60]  }
0x1ba: {  	[tilespmem:v12+s0+$0x0] =	vst.idx.add.f32.msk $0xffff, v0  }
0x1bb: {  	v9 =	vmul.f32 v13, v9;
	v11 =	vld [tilespmem:s25+$0xFFFFFF60];
	v0 =	vadd.f32 v6, v5  }
0x1bc: {  	v5 =	vld [tilespmem:s26+$0xFFFFFF70]  }
0x1bd: {  	v6 =	vmul.f32 v10, v7;
	v7 =	vld [tilespmem:s25+$0xFFFFFF70]  }
0x1be: {  	v10 =	vld [tilespmem:s26+$0xFFFFFF80]  }
0x1bf: {  	v6 =	vadd.f32 v6, v9;
	v9 =	vld [tilespmem:s25+$0xFFFFFF80]  }
0x1c0: {  	v8 =	vmul.f32 v11, v8;
	v11 =	vld [tilespmem:s26+$0xFFFFFF90]  }
0x1c1: {  	v12 =	vld [tilespmem:s25+$0xFFFFFF90]  }
0x1c2: {  	v5 =	vmul.f32 v7, v5;
	v7 =	vld [tilespmem:s26+$0xFFFFFFA0]  }
0x1c3: {  	v13 =	vld [tilespmem:s25+$0xFFFFFFA0]  }
0x1c4: {  	v5 =	vadd.f32 v5, v8;
	v8 =	vmul.f32 v9, v10;
	v9 =	vld [tilespmem:s26+$0xFFFFFFB0]  }
0x1c5: {  	v10 =	vld [tilespmem:s25+$0xFFFFFFB0]  }
0x1c6: {  	v5 =	vadd.f32 v5, v6;
	v6 =	vmul.f32 v12, v11;
	v11 =	vld [tilespmem:s26+$0xFFFFFFC0]  }
0x1c7: {  	v12 =	vld [tilespmem:s25+$0xFFFFFFC0]  }
0x1c8: {  	v7 =	vmul.f32 v13, v7;
	v13 =	vld [tilespmem:s26+$0xFFFFFFD0];
	v6 =	vadd.f32 v6, v8  }
0x1c9: {  	v8 =	vld [tilespmem:s25+$0xFFFFFFD0]  }
0x1ca: {  	v9 =	vmul.f32 v10, v9;
	v10 =	vld [tilespmem:s26+$0xFFFFFFE0]  }
0x1cb: {  	v14 =	vld [tilespmem:s25+$0xFFFFFFE0]  }
0x1cc: {  	v11 =	vmul.f32 v12, v11;
	v12 =	vld [tilespmem:s26+$0xFFFFFFF0];
	v7 =	vadd.f32 v9, v7  }
0x1cd: {  	v9 =	vld [tilespmem:s25+$0xFFFFFFF0]  }
0x1ce: {  	v8 =	vmul.f32 v8, v13;
	v6 =	vadd.f32 v7, v6;
	v7 =	vld [tilespmem:s26+$0x0]  }
0x1cf: {  	v13 =	vld [tilespmem:s25+$0x0]  }
0x1d0: {  	v10 =	vmul.f32 v14, v10;
	v8 =	vadd.f32 v8, v11;
	v11 =	vld [tilespmem:s26+$0x10]  }
0x1d1: {  	v14 =	vld [tilespmem:s25+$0x10]  }
0x1d2: {  	v9 =	vmul.f32 v9, v12;
	v12 =	vld [tilespmem:s26+$0x20]  }
0x1d3: {  	v15 =	vld [tilespmem:s25+$0x20]  }
0x1d4: {  	v9 =	vadd.f32 v9, v10;
	v7 =	vmul.f32 v13, v7;
	v10 =	vld [tilespmem:s26+$0x30]  }
0x1d5: {  	s30 =	sadd.s32 $0x84, s9;
	v13 =	vld [tilespmem:s25+$0x30]  }
0x1d6: {  	s11 =	sadd.s32 $0x85, s29;
	v8 =	vadd.f32 v9, v8;
	v9 =	vmul.f32 v14, v11;
	v11 =	vld [tilespmem:s26+$0x40];
	v14 =	vmov s30  }
0x1d7: {  	v16 =	vmov s11;
	v17 =	vld [tilespmem:s25+$0x40];
	v14 =	vand.u32 $0xFFFFFFFC, v14  }
0x1d8: {  	s11 =	sadd.s32 $0x86, s9;
	s9 =	smov.u32 s29;
	v18 =	vadd.f32 v8, v6;
	v6 =	vmul.f32 v15, v12;
	v12 =	vld [tilespmem:s26+$0x50];
	v15 =	vadd.f32 v9, v7  }
0x1d9: {  	v7 =	vand.u32 $0xFFFFFFFD, v16;
	v14 =	vbroadcast v14, $0x0;
	v8 =	vmov s11;
	v16 =	vld [tilespmem:s25+$0x50]  }
0x1da: {  	v19 =	vbroadcast v7, $0x0;
	v7 =	vand.u32 $0xFFFFFFFE, v8;
	v9 =	vmul.f32 v13, v10;
	v10 =	vld [tilespmem:s26+$0x60]  }
0x1db: {  	v20 =	vbroadcast v7, $0x0;
	v13 =	vld [tilespmem:s25+$0x60]  }
0x1dc: {  	v11 =	vmul.f32 v17, v11;
	v7 =	vld [tilespmem:s26+$0x70];
	v6 =	vadd.f32 v9, v6  }
.Ltmp2:
0x1dd: {  	v8 =	vld [tilespmem:s25+$0x70];
	(pc) =	sbr.rel @p0 .LBB2_6-.Ltmp2, $4  }
0x1de: {  	v9 =	vld [tilespmem:s26+$0xFFFFFF00];
	v12 =	vmul.f32 v16, v12;
	v6 =	vadd.f32 v6, v15  }
0x1df: {  	[tilespmem:v14+s0+$0x0] =	vst.idx.add.f32.msk $0xffff, v3  }
0x1e0: {  	[tilespmem:v19+s0+$0x0] =	vst.idx.add.f32.msk $0xffff, v18;
	v10 =	vmul.f32 v13, v10;
	v3 =	vadd.f32 v12, v11  }
0x1e1: {  	s26 =	sadd.s32 $0x200, s26;
	[tilespmem:v20+s0+$0x0] =	vst.idx.add.f32.msk $0xffff, v2  }
0x1e2: {  	s10 =	sadd.s32 $0x84, s9  }
0x1e3: {  	v1 =	vmul.f32 v1, v9;
	v2 =	vmov s10;
	s10 =	sadd.s32 $0x86, s9  }
0x1e4: {  	v7 =	vmul.f32 v8, v7;
	v2 =	vand.u32 $0xFFFFFFFC, v2;
	v8 =	vmov s10  }
0x1e5: {  	v1 =	vadd.f32 v4, v1;
	v2 =	vbroadcast v2, $0x0;
	v4 =	vand.u32 $0xFFFFFFFE, v8  }
0x1e6: {  	v7 =	vadd.f32 v7, v10;
	v4 =	vbroadcast v4, $0x0  }
0x1e7: {  	v0 =	vadd.f32 v0, v1  }
0x1e8: {  	v1 =	vadd.f32 v7, v3  }
0x1e9: {  	v0 =	vadd.f32 v5, v0  }
0x1ea: {  	v1 =	vadd.f32 v1, v6  }
0x1eb: {  	[tilespmem:v2+s0+$0x0] =	vst.idx.add.f32.msk $0xffff, v0  }
0x1ec: {  	s11 =	simm.s32 $0x4400;
	[tilespmem:v4+s0+$0x0] =	vst.idx.add.f32.msk $0xffff, v1  }
0x1ed: {  	[tilespmem:s11], [sflag:$0x3] =	stream.indirect.gather [hbm4b:s1+s18], $0x80, s22, s18, $0xb8;
	[tilespmem:$0x10A00] =	vst v63  }
0x1ee: {  	s25 =	simm.s32 $0xC400  }
0x1ef: {  	[tilespmem:s25], [sflag:$0x3] =	stream.indirect.gather [hbm4b:s2+s18], $0x80, s23, s18, $0xb8;
	[tilespmem:$0x10A00] =	vst v63  }
0x1f0: {  	_ =	swait.ge [sflag:s31], $0x4000  }
0x1f1: {  	[sflag:s31] =	ssyncset.done $0x0  }
0x1f2: {  	[sflag:s31] =	ssyncadd.s32 $0xFFFFC000  }
0x1f3: {  	_ =	swait.ge [sflag:s31], $0x4000  }
0x1f4: {  	[sflag:s31] =	ssyncset.done $0x0  }
0x1f5: {  	s26 =	simm.s32 $0x500;
	[sflag:s31] =	ssyncadd.s32 $0xFFFFC000  }
0x1f6: {  	s25 =	simm.s32 $0x8500;
	v0 =	vld [tilespmem:s26+$0x80]  }
0x1f7: {  	v1 =	vld [tilespmem:s25+$0x80]  }
0x1f8: {  	v2 =	vld [tilespmem:s26+$0x90]  }
0x1f9: {  	v3 =	vld [tilespmem:s25+$0x90]  }
0x1fa: {  	v4 =	vld [tilespmem:s26+$0xA0]  }
0x1fb: {  	v5 =	vld [tilespmem:s25+$0xA0]  }
0x1fc: {  	v6 =	vld [tilespmem:s26+$0xB0]  }
0x1fd: {  	v7 =	vld [tilespmem:s25+$0xB0]  }
0x1fe: {  	v8 =	vld [tilespmem:s26+$0xC0]  }
0x1ff: {  	v9 =	vld [tilespmem:s25+$0xC0]  }
0x200: {  	v10 =	vld [tilespmem:s26+$0xD0]  }
0x201: {  	v11 =	vld [tilespmem:s25+$0xD0]  }
0x202: {  	v12 =	vld [tilespmem:s26+$0xE0]  }
0x203: {  	v13 =	vld [tilespmem:s25+$0xE0]  }
0x204: {  	v14 =	vld [tilespmem:s26+$0xF0]  }
0x205: {  	v15 =	vld [tilespmem:s25+$0xF0]  }
0x206: {  	v16 =	vld [tilespmem:s26+$0xFFFFFF10]  }
0x207: {  	v48 =	vld [tilespmem:s26+$0xFFFFFF70]  }
0x208: {  	v49 =	vld [tilespmem:s25+$0xFFFFFF70]  }
0x209: {  	v50 =	vld [tilespmem:s26+$0xFFFFFF80]  }
0x20a: {  	v51 =	vld [tilespmem:s25+$0xFFFFFF80]  }
0x20b: {  	v17 =	vld [tilespmem:s26+$0xFFFFFF90]  }
0x20c: {  	v18 =	vld [tilespmem:s25+$0xFFFFFF90]  }
0x20d: {  	v19 =	vld [tilespmem:s26+$0xFFFFFFA0]  }
0x20e: {  	v20 =	vld [tilespmem:s25+$0xFFFFFFA0]  }
0x20f: {  	v21 =	vld [tilespmem:s26+$0xFFFFFFB0]  }
0x210: {  	v22 =	vld [tilespmem:s25+$0xFFFFFFB0]  }
0x211: {  	v23 =	vld [tilespmem:s26+$0xFFFFFFC0]  }
0x212: {  	v24 =	vld [tilespmem:s25+$0xFFFFFFC0]  }
0x213: {  	v25 =	vld [tilespmem:s26+$0xFFFFFFD0]  }
0x214: {  	v26 =	vld [tilespmem:s25+$0xFFFFFFD0]  }
0x215: {  	v27 =	vld [tilespmem:s26+$0xFFFFFFE0]  }
0x216: {  	v28 =	vld [tilespmem:s25+$0xFFFFFFE0]  }
0x217: {  	v29 =	vld [tilespmem:s26+$0xFFFFFFF0]  }
0x218: {  	v30 =	vld [tilespmem:s25+$0xFFFFFFF0]  }
0x219: {  	v31 =	vld [tilespmem:s26+$0x0]  }
0x21a: {  	v32 =	vld [tilespmem:s25+$0x0]  }
0x21b: {  	v33 =	vld [tilespmem:s26+$0x10]  }
0x21c: {  	v34 =	vld [tilespmem:s25+$0x10]  }
0x21d: {  	v52 =	vld [tilespmem:s25+$0x30]  }
0x21e: {  	v54 =	vld [tilespmem:s25+$0x40]  }
0x21f: {  	v58 =	vld [tilespmem:s26+$0x50];
	v0 =	vmul.f32 v1, v0;
	v1 =	vmul.f32 v3, v2  }
0x220: {  	v3 =	vmul.f32 v5, v4;
	v4 =	vmul.f32 v7, v6;
	v5 =	vld [tilespmem:s26+$0xFFFFFF20]  }
0x221: {  	v6 =	vmul.f32 v9, v8;
	v7 =	vmul.f32 v11, v10;
	v8 =	vld [tilespmem:s25+$0xFFFFFF20]  }
0x222: {  	v9 =	vmul.f32 v13, v12;
	v10 =	vmul.f32 v15, v14;
	v11 =	vld [tilespmem:s26+$0xFFFFFF30];
	v0 =	vadd.f32 v1, v0  }
0x223: {  	v1 =	vadd.f32 v4, v3;
	v4 =	vadd.f32 v7, v6;
	v7 =	vld [tilespmem:s26+$0xFFFFFF40]  }
0x224: {  	s29 =	simm.s32 $0x103;
	v6 =	vadd.f32 v10, v9;
	v10 =	vld [tilespmem:s25+$0xFFFFFF40]  }
0x225: {  	v3 =	vld [tilespmem:s25+$0xFFFFFF30];
	v9 =	vmov s29  }
0x226: {  	v0 =	vadd.f32 v1, v0;
	v1 =	vadd.f32 v6, v4;
	v4 =	vld [tilespmem:s26+$0xFFFFFF50]  }
0x227: {  	v6 =	vld [tilespmem:s25+$0xFFFFFF50]  }
0x228: {  	v0 =	vadd.f32 v1, v0;
	v1 =	vld [tilespmem:s26+$0xFFFFFF60]  }
0x229: {  	v7 =	vmul.f32 v10, v7;
	v10 =	vld [tilespmem:s26+$0x30]  }
0x22a: {  	v55 =	vmul.f32 v28, v27;
	[tilespmem:v9+s0+$0x0] =	vst.idx.add.f32.msk $0xffff, v0  }
0x22b: {  	s30 =	simm.s32 $0x101;
	v3 =	vmul.f32 v3, v11;
	v9 =	vld [tilespmem:s25+$0xFFFFFF60];
	v0 =	vmul.f32 v8, v5  }
0x22c: {  	v57 =	vmov s30;
	v56 =	vmul.f32 v30, v29;
	v5 =	vld [tilespmem:s26+$0x20];
	v4 =	vmul.f32 v6, v4  }
0x22d: {  	v8 =	vmul.f32 v18, v17;
	v6 =	vld [tilespmem:s25+$0x20];
	v0 =	vadd.f32 v3, v0;
	v3 =	vmul.f32 v51, v50  }
0x22e: {  	v60 =	vld [tilespmem:s25+$0x50];
	v11 =	vadd.f32 v4, v7;
	v4 =	vmul.f32 v20, v19;
	v7 =	vmul.f32 v22, v21  }
0x22f: {  	v62 =	vld [tilespmem:s26+$0x60];
	v53 =	vmul.f32 v24, v23;
	v59 =	vmul.f32 v32, v31;
	v15 =	vadd.f32 v56, v55  }
0x230: {  	v3 =	vadd.f32 v8, v3;
	v8 =	vld [tilespmem:s26+$0x40];
	v4 =	vadd.f32 v7, v4;
	v7 =	vmul.f32 v26, v25  }
0x231: {  	v2 =	vld [tilespmem:s25+$0xFFFFFF10];
	v18 =	vand.u32 $0xFFFFFFFD, v57;
	v1 =	vmul.f32 v9, v1;
	v9 =	vmul.f32 v49, v48  }
0x232: {  	v5 =	vmul.f32 v6, v5;
	v6 =	vmul.f32 v52, v10;
	v10 =	vld [tilespmem:s25+$0x60];
	v7 =	vadd.f32 v7, v53  }
0x233: {  	v61 =	vmul.f32 v34, v33;
	v18 =	vbroadcast v18, $0x0;
	v9 =	vadd.f32 v9, v1;
	v1 =	vld [tilespmem:s25+$0xFFFFFF00]  }
0x234: {  	v3 =	vadd.f32 v4, v3;
	v4 =	vadd.f32 v15, v7;
	v7 =	vld [tilespmem:s26+$0x70]  }
0x235: {  	v12 =	vadd.f32 v61, v59;
	v13 =	vmul.f32 v54, v8;
	v8 =	vld [tilespmem:s25+$0x70]  }
0x236: {  	v6 =	vadd.f32 v6, v5;
	v5 =	vadd.f32 v9, v11;
	v9 =	vld [tilespmem:s26+$0xFFFFFF00]  }
0x237: {  	v63 =	vmul.f32 v60, v58;
	v3 =	vadd.f32 v4, v3  }
0x238: {  	v6 =	vadd.f32 v6, v12;
	v4 =	vmul.f32 v2, v16  }
0x239: {  	s9 =	simm.s32 $0xFFFFFFFC;
	s10 =	simm.s32 $0x0;
	s26 =	simm.s32 $0x700;
	v10 =	vmul.f32 v10, v62;
	[tilespmem:v18+s0+$0x0] =	vst.idx.add.f32.msk $0xffff, v3;
	v3 =	vadd.f32 v63, v13  }
.LBB2_8:
0x23a: {  	v11 =	vld [tilespmem:s26+$0x80];
	v2 =	vmul.f32 v8, v7;
	s25 =	sadd.s32 $0x200, s25;
	s29 =	smov.u32 s10  }
0x23b: {  	v7 =	vld [tilespmem:s25+$0x80];
	v1 =	vmul.f32 v1, v9  }
0x23c: {  	v8 =	vld [tilespmem:s26+$0x90];
	v2 =	vadd.f32 v2, v10  }
0x23d: {  	v9 =	vld [tilespmem:s25+$0x90];
	v1 =	vadd.f32 v4, v1  }
0x23e: {  	v4 =	vld [tilespmem:s26+$0xA0];
	v2 =	vadd.f32 v2, v3  }
0x23f: {  	v10 =	vld [tilespmem:s25+$0xA0];
	v0 =	vadd.f32 v0, v1  }
0x240: {  	v12 =	vld [tilespmem:s26+$0xB0];
	v2 =	vadd.f32 v2, v6  }
0x241: {  	v6 =	vld [tilespmem:s25+$0xB0];
	v3 =	vadd.f32 v5, v0  }
0x242: {  	v0 =	vld [tilespmem:s26+$0xC0]  }
0x243: {  	v5 =	vld [tilespmem:s25+$0xC0]  }
0x244: {  	v13 =	vld [tilespmem:s26+$0xD0]  }
0x245: {  	v14 =	vld [tilespmem:s25+$0xD0]  }
0x246: {  	v15 =	vld [tilespmem:s26+$0xE0]  }
0x247: {  	v16 =	vld [tilespmem:s25+$0xE0]  }
0x248: {  	v17 =	vld [tilespmem:s26+$0xF0]  }
0x249: {  	s10 =	sadd.s32 $0x4, s10;
	v18 =	vld [tilespmem:s25+$0xF0]  }
0x24a: {  	p0 =	slt.u32 s10, $0x7C;
	v1 =	vld [tilespmem:s25+$0xFFFFFF00]  }
0x24b: {  	v7 =	vmul.f32 v7, v11;
	v8 =	vmul.f32 v9, v8;
	v19 =	vld [tilespmem:s26+$0xFFFFFF10]  }
0x24c: {  	v4 =	vmul.f32 v10, v4;
	v6 =	vmul.f32 v6, v12;
	v9 =	vld [tilespmem:s25+$0xFFFFFF10]  }
0x24d: {  	v0 =	vmul.f32 v5, v0;
	v5 =	vmul.f32 v14, v13;
	v10 =	vld [tilespmem:s26+$0xFFFFFF20]  }
0x24e: {  	v12 =	vmul.f32 v16, v15;
	v11 =	vld [tilespmem:s25+$0xFFFFFF20];
	v13 =	vmul.f32 v18, v17  }
0x24f: {  	v7 =	vadd.f32 v8, v7;
	v6 =	vadd.f32 v6, v4;
	v14 =	vld [tilespmem:s26+$0xFFFFFF30]  }
0x250: {  	s11 =	sadd.s32 $0x107, s29;
	v0 =	vadd.f32 v5, v0;
	v8 =	vld [tilespmem:s25+$0xFFFFFF30];
	v5 =	vadd.f32 v13, v12  }
0x251: {  	v12 =	vmov s11;
	v4 =	vmul.f32 v9, v19;
	v9 =	vld [tilespmem:s26+$0xFFFFFF40]  }
0x252: {  	v6 =	vadd.f32 v6, v7;
	v13 =	vld [tilespmem:s25+$0xFFFFFF40];
	v0 =	vadd.f32 v5, v0  }
0x253: {  	v5 =	vmul.f32 v11, v10;
	v7 =	vld [tilespmem:s26+$0xFFFFFF50]  }
0x254: {  	v10 =	vld [tilespmem:s25+$0xFFFFFF50];
	v0 =	vadd.f32 v0, v6  }
0x255: {  	v6 =	vmul.f32 v8, v14;
	v8 =	vld [tilespmem:s26+$0xFFFFFF60]  }
0x256: {  	[tilespmem:v12+s0+$0x0] =	vst.idx.add.f32.msk $0xffff, v0  }
0x257: {  	v9 =	vmul.f32 v13, v9;
	v11 =	vld [tilespmem:s25+$0xFFFFFF60];
	v0 =	vadd.f32 v6, v5  }
0x258: {  	v5 =	vld [tilespmem:s26+$0xFFFFFF70]  }
0x259: {  	v6 =	vmul.f32 v10, v7;
	v7 =	vld [tilespmem:s25+$0xFFFFFF70]  }
0x25a: {  	v10 =	vld [tilespmem:s26+$0xFFFFFF80]  }
0x25b: {  	v6 =	vadd.f32 v6, v9;
	v9 =	vld [tilespmem:s25+$0xFFFFFF80]  }
0x25c: {  	v8 =	vmul.f32 v11, v8;
	v11 =	vld [tilespmem:s26+$0xFFFFFF90]  }
0x25d: {  	v12 =	vld [tilespmem:s25+$0xFFFFFF90]  }
0x25e: {  	v5 =	vmul.f32 v7, v5;
	v7 =	vld [tilespmem:s26+$0xFFFFFFA0]  }
0x25f: {  	v13 =	vld [tilespmem:s25+$0xFFFFFFA0]  }
0x260: {  	v5 =	vadd.f32 v5, v8;
	v8 =	vmul.f32 v9, v10;
	v9 =	vld [tilespmem:s26+$0xFFFFFFB0]  }
0x261: {  	v10 =	vld [tilespmem:s25+$0xFFFFFFB0]  }
0x262: {  	v5 =	vadd.f32 v5, v6;
	v6 =	vmul.f32 v12, v11;
	v11 =	vld [tilespmem:s26+$0xFFFFFFC0]  }
0x263: {  	v12 =	vld [tilespmem:s25+$0xFFFFFFC0]  }
0x264: {  	v7 =	vmul.f32 v13, v7;
	v13 =	vld [tilespmem:s26+$0xFFFFFFD0];
	v6 =	vadd.f32 v6, v8  }
0x265: {  	v8 =	vld [tilespmem:s25+$0xFFFFFFD0]  }
0x266: {  	v9 =	vmul.f32 v10, v9;
	v10 =	vld [tilespmem:s26+$0xFFFFFFE0]  }
0x267: {  	v14 =	vld [tilespmem:s25+$0xFFFFFFE0]  }
0x268: {  	v11 =	vmul.f32 v12, v11;
	v12 =	vld [tilespmem:s26+$0xFFFFFFF0];
	v7 =	vadd.f32 v9, v7  }
0x269: {  	v9 =	vld [tilespmem:s25+$0xFFFFFFF0]  }
0x26a: {  	v8 =	vmul.f32 v8, v13;
	v6 =	vadd.f32 v7, v6;
	v7 =	vld [tilespmem:s26+$0x0]  }
0x26b: {  	v13 =	vld [tilespmem:s25+$0x0]  }
0x26c: {  	v10 =	vmul.f32 v14, v10;
	v8 =	vadd.f32 v8, v11;
	v11 =	vld [tilespmem:s26+$0x10]  }
0x26d: {  	v14 =	vld [tilespmem:s25+$0x10]  }
0x26e: {  	v9 =	vmul.f32 v9, v12;
	v12 =	vld [tilespmem:s26+$0x20]  }
0x26f: {  	v15 =	vld [tilespmem:s25+$0x20]  }
0x270: {  	v9 =	vadd.f32 v9, v10;
	v7 =	vmul.f32 v13, v7;
	v10 =	vld [tilespmem:s26+$0x30]  }
0x271: {  	s11 =	sadd.s32 $0x104, s9;
	v13 =	vld [tilespmem:s25+$0x30]  }
0x272: {  	s30 =	sadd.s32 $0x105, s29;
	v8 =	vadd.f32 v9, v8;
	v9 =	vmul.f32 v14, v11;
	v11 =	vld [tilespmem:s26+$0x40];
	v14 =	vmov s11  }
0x273: {  	v16 =	vmov s30;
	v17 =	vld [tilespmem:s25+$0x40];
	v14 =	vand.u32 $0xFFFFFFFC, v14  }
0x274: {  	s11 =	sadd.s32 $0x106, s9;
	s9 =	smov.u32 s29;
	v18 =	vadd.f32 v8, v6;
	v6 =	vmul.f32 v15, v12;
	v12 =	vld [tilespmem:s26+$0x50];
	v15 =	vadd.f32 v9, v7  }
0x275: {  	v7 =	vand.u32 $0xFFFFFFFD, v16;
	v14 =	vbroadcast v14, $0x0;
	v8 =	vmov s11;
	v16 =	vld [tilespmem:s25+$0x50]  }
0x276: {  	v19 =	vbroadcast v7, $0x0;
	v7 =	vand.u32 $0xFFFFFFFE, v8;
	v9 =	vmul.f32 v13, v10;
	v10 =	vld [tilespmem:s26+$0x60]  }
0x277: {  	v20 =	vbroadcast v7, $0x0;
	v13 =	vld [tilespmem:s25+$0x60]  }
0x278: {  	v11 =	vmul.f32 v17, v11;
	v7 =	vld [tilespmem:s26+$0x70];
	v6 =	vadd.f32 v9, v6  }
.Ltmp3:
0x279: {  	v8 =	vld [tilespmem:s25+$0x70];
	(pc) =	sbr.rel @p0 .LBB2_8-.Ltmp3, $4  }
0x27a: {  	v9 =	vld [tilespmem:s26+$0xFFFFFF00];
	v12 =	vmul.f32 v16, v12;
	v6 =	vadd.f32 v6, v15  }
0x27b: {  	[tilespmem:v14+s0+$0x0] =	vst.idx.add.f32.msk $0xffff, v3  }
0x27c: {  	[tilespmem:v19+s0+$0x0] =	vst.idx.add.f32.msk $0xffff, v18;
	v10 =	vmul.f32 v13, v10;
	v3 =	vadd.f32 v12, v11  }
0x27d: {  	s26 =	sadd.s32 $0x200, s26;
	[tilespmem:v20+s0+$0x0] =	vst.idx.add.f32.msk $0xffff, v2  }
0x27e: {  	s10 =	sadd.s32 $0x104, s9  }
0x27f: {  	s25 =	sadd.s32 $0x106, s9;
	v1 =	vmul.f32 v1, v9;
	v2 =	vmov s10  }
0x280: {  	v7 =	vmul.f32 v8, v7;
	v8 =	vmov s25;
	v2 =	vand.u32 $0xFFFFFFFC, v2  }
0x281: {  	v1 =	vadd.f32 v4, v1;
	v2 =	vbroadcast v2, $0x0;
	v4 =	vand.u32 $0xFFFFFFFE, v8  }
0x282: {  	v7 =	vadd.f32 v7, v10;
	v4 =	vbroadcast v4, $0x0  }
0x283: {  	v0 =	vadd.f32 v0, v1  }
0x284: {  	v1 =	vadd.f32 v7, v3  }
0x285: {  	v0 =	vadd.f32 v5, v0  }
0x286: {  	v1 =	vadd.f32 v1, v6  }
0x287: {  	[tilespmem:v2+s0+$0x0] =	vst.idx.add.f32.msk $0xffff, v0  }
0x288: {  	[tilespmem:v4+s0+$0x0] =	vst.idx.add.f32.msk $0xffff, v1  }
0x289: {  	_ =	swait.ge [sflag:s5], $0x4000  }
0x28a: {  	[sflag:s5] =	ssyncset.done $0x0  }
0x28b: {  	[sflag:s5] =	ssyncadd.s32 $0xFFFFC000  }
0x28c: {  	_ =	swait.ge [sflag:s5], $0x4000  }
0x28d: {  	[sflag:s5] =	ssyncset.done $0x0  }
0x28e: {  	s26 =	simm.s32 $0x4500;
	[sflag:s5] =	ssyncadd.s32 $0xFFFFC000  }
0x28f: {  	s25 =	simm.s32 $0xC500;
	v0 =	vld [tilespmem:s26+$0x80]  }
0x290: {  	v1 =	vld [tilespmem:s25+$0x80]  }
0x291: {  	v2 =	vld [tilespmem:s26+$0x90]  }
0x292: {  	v3 =	vld [tilespmem:s25+$0x90]  }
0x293: {  	v4 =	vld [tilespmem:s26+$0xA0]  }
0x294: {  	v5 =	vld [tilespmem:s25+$0xA0]  }
0x295: {  	v6 =	vld [tilespmem:s26+$0xB0]  }
0x296: {  	v7 =	vld [tilespmem:s25+$0xB0]  }
0x297: {  	v8 =	vld [tilespmem:s26+$0xC0]  }
0x298: {  	v9 =	vld [tilespmem:s25+$0xC0]  }
0x299: {  	v10 =	vld [tilespmem:s26+$0xD0]  }
0x29a: {  	v11 =	vld [tilespmem:s25+$0xD0]  }
0x29b: {  	v12 =	vld [tilespmem:s26+$0xE0]  }
0x29c: {  	v13 =	vld [tilespmem:s25+$0xE0]  }
0x29d: {  	v14 =	vld [tilespmem:s26+$0xF0]  }
0x29e: {  	v15 =	vld [tilespmem:s25+$0xF0]  }
0x29f: {  	v16 =	vld [tilespmem:s26+$0xFFFFFF10]  }
0x2a0: {  	v48 =	vld [tilespmem:s26+$0xFFFFFF70]  }
0x2a1: {  	v49 =	vld [tilespmem:s25+$0xFFFFFF70]  }
0x2a2: {  	v50 =	vld [tilespmem:s26+$0xFFFFFF80]  }
0x2a3: {  	v51 =	vld [tilespmem:s25+$0xFFFFFF80]  }
0x2a4: {  	v17 =	vld [tilespmem:s26+$0xFFFFFF90]  }
0x2a5: {  	v18 =	vld [tilespmem:s25+$0xFFFFFF90]  }
0x2a6: {  	v19 =	vld [tilespmem:s26+$0xFFFFFFA0]  }
0x2a7: {  	v20 =	vld [tilespmem:s25+$0xFFFFFFA0]  }
0x2a8: {  	v21 =	vld [tilespmem:s26+$0xFFFFFFB0]  }
0x2a9: {  	v22 =	vld [tilespmem:s25+$0xFFFFFFB0]  }
0x2aa: {  	v23 =	vld [tilespmem:s26+$0xFFFFFFC0]  }
0x2ab: {  	v24 =	vld [tilespmem:s25+$0xFFFFFFC0]  }
0x2ac: {  	v25 =	vld [tilespmem:s26+$0xFFFFFFD0]  }
0x2ad: {  	v26 =	vld [tilespmem:s25+$0xFFFFFFD0]  }
0x2ae: {  	v27 =	vld [tilespmem:s26+$0xFFFFFFE0]  }
0x2af: {  	v28 =	vld [tilespmem:s25+$0xFFFFFFE0]  }
0x2b0: {  	v29 =	vld [tilespmem:s26+$0xFFFFFFF0]  }
0x2b1: {  	v30 =	vld [tilespmem:s25+$0xFFFFFFF0]  }
0x2b2: {  	v31 =	vld [tilespmem:s26+$0x0]  }
0x2b3: {  	v32 =	vld [tilespmem:s25+$0x0]  }
0x2b4: {  	v33 =	vld [tilespmem:s26+$0x10]  }
0x2b5: {  	v34 =	vld [tilespmem:s25+$0x10]  }
0x2b6: {  	v52 =	vld [tilespmem:s25+$0x30]  }
0x2b7: {  	v54 =	vld [tilespmem:s25+$0x40]  }
0x2b8: {  	v58 =	vld [tilespmem:s26+$0x50];
	v0 =	vmul.f32 v1, v0;
	v1 =	vmul.f32 v3, v2  }
0x2b9: {  	v3 =	vmul.f32 v5, v4;
	v4 =	vmul.f32 v7, v6;
	v5 =	vld [tilespmem:s26+$0xFFFFFF20]  }
0x2ba: {  	v6 =	vmul.f32 v9, v8;
	v7 =	vmul.f32 v11, v10;
	v8 =	vld [tilespmem:s25+$0xFFFFFF20]  }
0x2bb: {  	v9 =	vmul.f32 v13, v12;
	v10 =	vmul.f32 v15, v14;
	v11 =	vld [tilespmem:s26+$0xFFFFFF30];
	v0 =	vadd.f32 v1, v0  }
0x2bc: {  	v1 =	vadd.f32 v4, v3;
	v4 =	vadd.f32 v7, v6;
	v7 =	vld [tilespmem:s26+$0xFFFFFF40]  }
0x2bd: {  	s29 =	simm.s32 $0x183;
	v6 =	vadd.f32 v10, v9;
	v10 =	vld [tilespmem:s25+$0xFFFFFF40]  }
0x2be: {  	v3 =	vld [tilespmem:s25+$0xFFFFFF30];
	v9 =	vmov s29  }
0x2bf: {  	v0 =	vadd.f32 v1, v0;
	v1 =	vadd.f32 v6, v4;
	v4 =	vld [tilespmem:s26+$0xFFFFFF50]  }
0x2c0: {  	v6 =	vld [tilespmem:s25+$0xFFFFFF50]  }
0x2c1: {  	v0 =	vadd.f32 v1, v0;
	v1 =	vld [tilespmem:s26+$0xFFFFFF60]  }
0x2c2: {  	v7 =	vmul.f32 v10, v7;
	v10 =	vld [tilespmem:s26+$0x30]  }
0x2c3: {  	v55 =	vmul.f32 v28, v27;
	[tilespmem:v9+s0+$0x0] =	vst.idx.add.f32.msk $0xffff, v0  }
0x2c4: {  	s30 =	simm.s32 $0x181;
	v3 =	vmul.f32 v3, v11;
	v9 =	vld [tilespmem:s25+$0xFFFFFF60];
	v0 =	vmul.f32 v8, v5  }
0x2c5: {  	v57 =	vmov s30;
	v56 =	vmul.f32 v30, v29;
	v5 =	vld [tilespmem:s26+$0x20];
	v4 =	vmul.f32 v6, v4  }
0x2c6: {  	v8 =	vmul.f32 v18, v17;
	v6 =	vld [tilespmem:s25+$0x20];
	v0 =	vadd.f32 v3, v0;
	v3 =	vmul.f32 v51, v50  }
0x2c7: {  	v60 =	vld [tilespmem:s25+$0x50];
	v11 =	vadd.f32 v4, v7;
	v4 =	vmul.f32 v20, v19;
	v7 =	vmul.f32 v22, v21  }
0x2c8: {  	v62 =	vld [tilespmem:s26+$0x60];
	v53 =	vmul.f32 v24, v23;
	v59 =	vmul.f32 v32, v31;
	v15 =	vadd.f32 v56, v55  }
0x2c9: {  	v3 =	vadd.f32 v8, v3;
	v8 =	vld [tilespmem:s26+$0x40];
	v4 =	vadd.f32 v7, v4;
	v7 =	vmul.f32 v26, v25  }
0x2ca: {  	v2 =	vld [tilespmem:s25+$0xFFFFFF10];
	v18 =	vand.u32 $0xFFFFFFFD, v57;
	v1 =	vmul.f32 v9, v1;
	v9 =	vmul.f32 v49, v48  }
0x2cb: {  	v5 =	vmul.f32 v6, v5;
	v6 =	vmul.f32 v52, v10;
	v10 =	vld [tilespmem:s25+$0x60];
	v7 =	vadd.f32 v7, v53  }
0x2cc: {  	v61 =	vmul.f32 v34, v33;
	v18 =	vbroadcast v18, $0x0;
	v9 =	vadd.f32 v9, v1;
	v1 =	vld [tilespmem:s25+$0xFFFFFF00]  }
0x2cd: {  	v3 =	vadd.f32 v4, v3;
	v4 =	vadd.f32 v15, v7;
	v7 =	vld [tilespmem:s26+$0x70]  }
0x2ce: {  	v12 =	vadd.f32 v61, v59;
	v13 =	vmul.f32 v54, v8;
	v8 =	vld [tilespmem:s25+$0x70]  }
0x2cf: {  	v6 =	vadd.f32 v6, v5;
	v5 =	vadd.f32 v9, v11;
	v9 =	vld [tilespmem:s26+$0xFFFFFF00]  }
0x2d0: {  	v63 =	vmul.f32 v60, v58;
	v3 =	vadd.f32 v4, v3  }
0x2d1: {  	v6 =	vadd.f32 v6, v12;
	v4 =	vmul.f32 v2, v16  }
0x2d2: {  	s9 =	simm.s32 $0xFFFFFFFC;
	s10 =	simm.s32 $0x0;
	s26 =	simm.s32 $0x4700;
	v10 =	vmul.f32 v10, v62;
	[tilespmem:v18+s0+$0x0] =	vst.idx.add.f32.msk $0xffff, v3;
	v3 =	vadd.f32 v63, v13  }
.LBB2_10:
0x2d3: {  	v11 =	vld [tilespmem:s26+$0x80];
	v2 =	vmul.f32 v8, v7;
	s25 =	sadd.s32 $0x200, s25;
	s29 =	smov.u32 s10  }
0x2d4: {  	v7 =	vld [tilespmem:s25+$0x80];
	v1 =	vmul.f32 v1, v9  }
0x2d5: {  	v8 =	vld [tilespmem:s26+$0x90];
	v2 =	vadd.f32 v2, v10  }
0x2d6: {  	v9 =	vld [tilespmem:s25+$0x90];
	v1 =	vadd.f32 v4, v1  }
0x2d7: {  	v4 =	vld [tilespmem:s26+$0xA0];
	v2 =	vadd.f32 v2, v3  }
0x2d8: {  	v10 =	vld [tilespmem:s25+$0xA0];
	v0 =	vadd.f32 v0, v1  }
0x2d9: {  	v12 =	vld [tilespmem:s26+$0xB0];
	v2 =	vadd.f32 v2, v6  }
0x2da: {  	v6 =	vld [tilespmem:s25+$0xB0];
	v3 =	vadd.f32 v5, v0  }
0x2db: {  	v0 =	vld [tilespmem:s26+$0xC0]  }
0x2dc: {  	v5 =	vld [tilespmem:s25+$0xC0]  }
0x2dd: {  	v13 =	vld [tilespmem:s26+$0xD0]  }
0x2de: {  	v14 =	vld [tilespmem:s25+$0xD0]  }
0x2df: {  	v15 =	vld [tilespmem:s26+$0xE0]  }
0x2e0: {  	v16 =	vld [tilespmem:s25+$0xE0]  }
0x2e1: {  	v17 =	vld [tilespmem:s26+$0xF0]  }
0x2e2: {  	s10 =	sadd.s32 $0x4, s10;
	v18 =	vld [tilespmem:s25+$0xF0]  }
0x2e3: {  	p0 =	slt.u32 s10, $0x7C;
	v1 =	vld [tilespmem:s25+$0xFFFFFF00]  }
0x2e4: {  	v7 =	vmul.f32 v7, v11;
	v8 =	vmul.f32 v9, v8;
	v19 =	vld [tilespmem:s26+$0xFFFFFF10]  }
0x2e5: {  	v4 =	vmul.f32 v10, v4;
	v6 =	vmul.f32 v6, v12;
	v9 =	vld [tilespmem:s25+$0xFFFFFF10]  }
0x2e6: {  	v0 =	vmul.f32 v5, v0;
	v5 =	vmul.f32 v14, v13;
	v10 =	vld [tilespmem:s26+$0xFFFFFF20]  }
0x2e7: {  	v12 =	vmul.f32 v16, v15;
	v11 =	vld [tilespmem:s25+$0xFFFFFF20];
	v13 =	vmul.f32 v18, v17  }
0x2e8: {  	v7 =	vadd.f32 v8, v7;
	v6 =	vadd.f32 v6, v4;
	v14 =	vld [tilespmem:s26+$0xFFFFFF30]  }
0x2e9: {  	s11 =	sadd.s32 $0x187, s29;
	v0 =	vadd.f32 v5, v0;
	v8 =	vld [tilespmem:s25+$0xFFFFFF30];
	v5 =	vadd.f32 v13, v12  }
0x2ea: {  	v12 =	vmov s11;
	v4 =	vmul.f32 v9, v19;
	v9 =	vld [tilespmem:s26+$0xFFFFFF40]  }
0x2eb: {  	v6 =	vadd.f32 v6, v7;
	v13 =	vld [tilespmem:s25+$0xFFFFFF40];
	v0 =	vadd.f32 v5, v0  }
0x2ec: {  	v5 =	vmul.f32 v11, v10;
	v7 =	vld [tilespmem:s26+$0xFFFFFF50]  }
0x2ed: {  	v10 =	vld [tilespmem:s25+$0xFFFFFF50];
	v0 =	vadd.f32 v0, v6  }
0x2ee: {  	v6 =	vmul.f32 v8, v14;
	v8 =	vld [tilespmem:s26+$0xFFFFFF60]  }
0x2ef: {  	[tilespmem:v12+s0+$0x0] =	vst.idx.add.f32.msk $0xffff, v0  }
0x2f0: {  	v9 =	vmul.f32 v13, v9;
	v11 =	vld [tilespmem:s25+$0xFFFFFF60];
	v0 =	vadd.f32 v6, v5  }
0x2f1: {  	v5 =	vld [tilespmem:s26+$0xFFFFFF70]  }
0x2f2: {  	v6 =	vmul.f32 v10, v7;
	v7 =	vld [tilespmem:s25+$0xFFFFFF70]  }
0x2f3: {  	v10 =	vld [tilespmem:s26+$0xFFFFFF80]  }
0x2f4: {  	v6 =	vadd.f32 v6, v9;
	v9 =	vld [tilespmem:s25+$0xFFFFFF80]  }
0x2f5: {  	v8 =	vmul.f32 v11, v8;
	v11 =	vld [tilespmem:s26+$0xFFFFFF90]  }
0x2f6: {  	v12 =	vld [tilespmem:s25+$0xFFFFFF90]  }
0x2f7: {  	v5 =	vmul.f32 v7, v5;
	v7 =	vld [tilespmem:s26+$0xFFFFFFA0]  }
0x2f8: {  	v13 =	vld [tilespmem:s25+$0xFFFFFFA0]  }
0x2f9: {  	v5 =	vadd.f32 v5, v8;
	v8 =	vmul.f32 v9, v10;
	v9 =	vld [tilespmem:s26+$0xFFFFFFB0]  }
0x2fa: {  	v10 =	vld [tilespmem:s25+$0xFFFFFFB0]  }
0x2fb: {  	v5 =	vadd.f32 v5, v6;
	v6 =	vmul.f32 v12, v11;
	v11 =	vld [tilespmem:s26+$0xFFFFFFC0]  }
0x2fc: {  	v12 =	vld [tilespmem:s25+$0xFFFFFFC0]  }
0x2fd: {  	v7 =	vmul.f32 v13, v7;
	v13 =	vld [tilespmem:s26+$0xFFFFFFD0];
	v6 =	vadd.f32 v6, v8  }
0x2fe: {  	v8 =	vld [tilespmem:s25+$0xFFFFFFD0]  }
0x2ff: {  	v9 =	vmul.f32 v10, v9;
	v10 =	vld [tilespmem:s26+$0xFFFFFFE0]  }
0x300: {  	v14 =	vld [tilespmem:s25+$0xFFFFFFE0]  }
0x301: {  	v11 =	vmul.f32 v12, v11;
	v12 =	vld [tilespmem:s26+$0xFFFFFFF0];
	v7 =	vadd.f32 v9, v7  }
0x302: {  	v9 =	vld [tilespmem:s25+$0xFFFFFFF0]  }
0x303: {  	v8 =	vmul.f32 v8, v13;
	v6 =	vadd.f32 v7, v6;
	v7 =	vld [tilespmem:s26+$0x0]  }
0x304: {  	v13 =	vld [tilespmem:s25+$0x0]  }
0x305: {  	v10 =	vmul.f32 v14, v10;
	v8 =	vadd.f32 v8, v11;
	v11 =	vld [tilespmem:s26+$0x10]  }
0x306: {  	v14 =	vld [tilespmem:s25+$0x10]  }
0x307: {  	v9 =	vmul.f32 v9, v12;
	v12 =	vld [tilespmem:s26+$0x20]  }
0x308: {  	v15 =	vld [tilespmem:s25+$0x20]  }
0x309: {  	v9 =	vadd.f32 v9, v10;
	v7 =	vmul.f32 v13, v7;
	v10 =	vld [tilespmem:s26+$0x30]  }
0x30a: {  	s11 =	sadd.s32 $0x184, s9;
	v13 =	vld [tilespmem:s25+$0x30]  }
0x30b: {  	s30 =	sadd.s32 $0x185, s29;
	v8 =	vadd.f32 v9, v8;
	v9 =	vmul.f32 v14, v11;
	v11 =	vld [tilespmem:s26+$0x40];
	v14 =	vmov s11  }
0x30c: {  	v16 =	vmov s30;
	v17 =	vld [tilespmem:s25+$0x40];
	v14 =	vand.u32 $0xFFFFFFFC, v14  }
0x30d: {  	s11 =	sadd.s32 $0x186, s9;
	s9 =	smov.u32 s29;
	v18 =	vadd.f32 v8, v6;
	v6 =	vmul.f32 v15, v12;
	v12 =	vld [tilespmem:s26+$0x50];
	v15 =	vadd.f32 v9, v7  }
0x30e: {  	v7 =	vand.u32 $0xFFFFFFFD, v16;
	v14 =	vbroadcast v14, $0x0;
	v8 =	vmov s11;
	v16 =	vld [tilespmem:s25+$0x50]  }
0x30f: {  	v19 =	vbroadcast v7, $0x0;
	v7 =	vand.u32 $0xFFFFFFFE, v8;
	v9 =	vmul.f32 v13, v10;
	v10 =	vld [tilespmem:s26+$0x60]  }
0x310: {  	v20 =	vbroadcast v7, $0x0;
	v13 =	vld [tilespmem:s25+$0x60]  }
0x311: {  	v11 =	vmul.f32 v17, v11;
	v7 =	vld [tilespmem:s26+$0x70];
	v6 =	vadd.f32 v9, v6  }
.Ltmp4:
0x312: {  	v8 =	vld [tilespmem:s25+$0x70];
	(pc) =	sbr.rel @p0 .LBB2_10-.Ltmp4, $4  }
0x313: {  	v9 =	vld [tilespmem:s26+$0xFFFFFF00];
	v12 =	vmul.f32 v16, v12;
	v6 =	vadd.f32 v6, v15  }
0x314: {  	[tilespmem:v14+s0+$0x0] =	vst.idx.add.f32.msk $0xffff, v3  }
0x315: {  	[tilespmem:v19+s0+$0x0] =	vst.idx.add.f32.msk $0xffff, v18;
	v10 =	vmul.f32 v13, v10;
	v3 =	vadd.f32 v12, v11  }
0x316: {  	s26 =	sadd.s32 $0x200, s26;
	[tilespmem:v20+s0+$0x0] =	vst.idx.add.f32.msk $0xffff, v2  }
0x317: {  	s10 =	sadd.s32 $0x184, s9  }
0x318: {  	s30 =	sadd.s32 $0x186, s9;
	v1 =	vmul.f32 v1, v9;
	v2 =	vmov s10  }
0x319: {  	v7 =	vmul.f32 v8, v7;
	v61 =	vmov s30;
	v2 =	vand.u32 $0xFFFFFFFC, v2  }
0x31a: {  	v62 =	vand.u32 $0xFFFFFFFE, v61;
	v1 =	vadd.f32 v4, v1;
	v2 =	vbroadcast v2, $0x0  }
0x31b: {  	v7 =	vadd.f32 v7, v10;
	v4 =	vbroadcast v62, $0x0  }
0x31c: {  	v0 =	vadd.f32 v0, v1  }
0x31d: {  	v63 =	vadd.f32 v7, v3  }
0x31e: {  	v0 =	vadd.f32 v5, v0  }
0x31f: {  	s8 =	sadd.s32 $0x1, s8;
	v1 =	vadd.f32 v63, v6  }
0x320: {  	p0 =	sne.s32 s8, s16;
	[tilespmem:v2+s0+$0x0] =	vst.idx.add.f32.msk $0xffff, v0  }
.Ltmp5:
0x321: {  	[tilespmem:v4+s0+$0x0] =	vst.idx.add.f32.msk $0xffff, v1;
	(pc) =	sbr.rel @p0 .LBB2_1-.Ltmp5, $4  }
0x322: {  	[hbm4b:s15+s4] =	stream.linear.scatter [tilespmem:s0], [sflag:$0x5], $0x200, $0x38;
	[tilespmem:$0x10A00] =	vst v63  }
0x323: {  	_ =	swait.ge [sflag:s7], $0x200  }
0x324: {  	[sflag:s7] =	ssyncset.done $0x0  }
0x325: {  	s11 =	simm.s32 $0x400;
	[sflag:s7] =	ssyncadd.s32 $0xFFFFFE00  }
0x326: {  	_ =	sfence.sel $0x180000  }
0x327: {  	[bflag:$0x0] =	sbarrier.arrive $0xFFFF  }
0x328: {  	_ =	strace $0x90000047  }
0x329: {  	s0 =	stileid.u32;
	[bflag:$0x2] =	sbarrier.arrive $0xFFFF  }
0x32a: {  	p0 =	sne.s32 s0, $0x0;
	s0 =	rddreg [dreg:$0x6]  }
0x32b: {  	s0 =	sadd.s32 @!p0 $0x100000, s0  }
0x32c: {  	[sflag:s0] =	ssyncadd.tile.s32 @!p0 $0x1;
	_ =	shalt  }
.Lfunc_end2:
_tile_overlayer_lowered:
.L_overlay_start_2:
0x32d: {  	(tag) =	ssettag $0x2  }
0x32e: {  	s0 =	rddreg [dreg:$0x0];
	s2 =	stileid.u32  }
0x32f: {  	s1 =	rddreg [dreg:$0x1];
	p0 =	sne.s32 s2, $0x0  }
0x330: {  	s3 =	rddreg [dreg:$0x2];
	[bflag:$0x3] =	sbarrier.arrive $0xFFFF;
	s2 =	simm.s32 @!p0 $0x1C05  }
0x331: {  	[timem:s3], [sflag:s2] =	dma.local @!p0 [hbm:s0], s1  }
0x332: {  	s0 =	simm.s32 @!p0 $0x5  }
0x333: {  	_ =	swait.ge @!p0 [sflag:s0], s1  }
0x334: {  	s1 =	ssub.s32 @!p0 $0x0, s1;
	[sflag:s0] =	ssyncset.done @!p0 $0x0  }
0x335: {  	[sflag:s0] =	ssyncadd.s32 @!p0 s1  }
0x336: {  	[bflag:$0x3] =	sbarrier.arrive $0xFFFF  }
0x337: {  	_ =	shalt  }

</sc_bundles>
